<compile_context>
chip_gen: v7x
topology: tpu7x:2x2x1
jax: 0.10.2.dev20260603
libtpu: 0.0.44.dev20260713+nightly
codegen_flags: <defaults>
</compile_context>

<pallas_src>
import functools

import jax
import jax.numpy as jnp
from jax import lax
from jax.experimental import pallas as pl
from jax.experimental.pallas import tpu as pltpu
from jax.experimental.pallas import tpu_sc as plsc

_B = 16384
_NW = 32
_BPW = _B // _NW
_GCH = 128
_NCH = _BPW // _GCH
_N = 1000000
_NPAD = 1000448
_CH = _NPAD // _NW
_UN = 16
_OUTER = 122
_REM = _CH // 16 - _OUTER * _UN
_NACC = 4


def _sum_body(t_hbm, px_hbm, sb, pp, sem_t):
    cid = lax.axis_index("c")
    sid = lax.axis_index("s")
    wid = sid * 2 + cid
    pltpu.async_copy(t_hbm.at[pl.ds(wid * _CH, _CH)], sb, sem_t).wait()

    def sbody(t, accs):
        base = t * (_UN * 16)
        accs = list(accs)
        for k in range(_UN):
            v = sb[pl.ds(base + k * 16, 16)]
            accs[k % _NACC] = accs[k % _NACC] + v
        return tuple(accs)

    zf = jnp.zeros((16,), jnp.float32)
    accs = lax.fori_loop(0, _OUTER, sbody, (zf,) * _NACC)
    acc = accs[0]
    for a in accs[1:]:
        acc = acc + a
    for k in range(_REM):
        acc = acc + sb[pl.ds((_OUTER * _UN + k) * 16, 16)]
    pp[...] = acc
    pltpu.sync_copy(pp, px_hbm.at[wid])


def _gather_body(xi, xj, xk, r_hbm, t_hbm, px_hbm, o_hbm,
                 ii, ij, ik, rg, jg, tg, po, shv,
                 sem_i, sem_j, sem_k, sem_p):
    cid = lax.axis_index("c")
    sid = lax.axis_index("s")
    wid = sid * 2 + cid
    cp_p = pltpu.async_copy(px_hbm, shv, sem_p)
    pltpu.sync_copy(xi.at[wid], ii)
    pltpu.sync_copy(xj.at[wid], ij)
    pltpu.sync_copy(xk.at[wid], ik)
    cps = []
    for c in range(_NCH):
        d = pl.ds(c * _GCH, _GCH)
        cps.append(pltpu.async_copy(r_hbm.at[ii.at[c]], rg.at[d], sem_i))
        cps.append(pltpu.async_copy(r_hbm.at[ij.at[c]], jg.at[d], sem_j))
        cps.append(pltpu.async_copy(t_hbm.at[ik.at[c]], tg.at[d], sem_k))
    cp_p.wait()
    v = shv[0]
    for r in range(1, _NW):
        v = v + shv[r]
    tot = v[0]
    for l in range(1, 16):
        tot = tot + v[l]
    inv = jnp.float32(1.0) / jnp.full((16,), tot, jnp.float32)

    for cp in cps:
        cp.wait()
    for t in range(_BPW // 16):
        sl = pl.ds(t * 16, 16)
        po[sl] = tg[sl] * inv * (rg[sl] - jg[sl])
    pltpu.sync_copy(po, o_hbm.at[pl.ds(wid * _BPW, _BPW)])


@jax.jit
def kernel(x, R, Theta):
    xt = x.T
    xi = xt[0].reshape(_NW, _NCH, _GCH)
    xj = xt[1].reshape(_NW, _NCH, _GCH)
    xk = xt[2].reshape(_NW, _NCH, _GCH)
    tflat = jnp.pad(Theta.T, ((0, 0), (0, _NPAD - _N))).reshape(_NPAD)
    rflat = jnp.pad(R.T, ((0, 0), (0, _NPAD - _N))).reshape(_NPAD)
    mesh = plsc.VectorSubcoreMesh(core_axis_name="c", subcore_axis_name="s")

    px = functools.partial(
        pl.kernel,
        mesh=mesh,
        out_type=jax.ShapeDtypeStruct((_NW, 16), jnp.float32),
        scratch_types=[
            pltpu.VMEM((_CH,), jnp.float32),
            pltpu.VMEM((16,), jnp.float32),
            pltpu.SemaphoreType.DMA,
        ],
    )(_sum_body)(tflat)

    sc = functools.partial(
        pl.kernel,
        mesh=mesh,
        out_type=jax.ShapeDtypeStruct((_B,), jnp.float32),
        scratch_types=[
            pltpu.VMEM((_NCH, _GCH), jnp.int32),
            pltpu.VMEM((_NCH, _GCH), jnp.int32),
            pltpu.VMEM((_NCH, _GCH), jnp.int32),
            pltpu.VMEM((_BPW,), jnp.float32),
            pltpu.VMEM((_BPW,), jnp.float32),
            pltpu.VMEM((_BPW,), jnp.float32),
            pltpu.VMEM((_BPW,), jnp.float32),
            pltpu.VMEM((_NW, 16), jnp.float32),
            pltpu.SemaphoreType.DMA,
            pltpu.SemaphoreType.DMA,
            pltpu.SemaphoreType.DMA,
            pltpu.SemaphoreType.DMA,
        ],
    )(_gather_body)
    p = sc(xi, xj, xk, rflat, tflat, px)
    return p.reshape(_B, 1)

# --- scband reference (transcript-rebuilt; emitter-appended) ---
"""Pipeline reference for scband-am-elo-34273839022907 (READ-ONLY COPY).

The authoritative reference and input builder live on the scoring server;
editing this copy changes nothing except your own understanding.
"""

import jax, jax.numpy as jnp
import numpy as np

NUM_MODEL = 1000000
NUM_JUDGE = 1000000
BATCH = 16384

def _xavier_uniform(key, shape):
    # xavier_uniform for weight of shape (num, 1): fan_in=1, fan_out=num per torch Embedding weight layout
    fan_in, fan_out = shape[1], shape[0]
    limit = float(np.sqrt(6.0 / (fan_in + fan_out)))
    return jax.random.uniform(key, shape, dtype=jnp.float32, minval=-limit, maxval=limit)

def setup_inputs(seed: int = 0) -> dict:
    key = jax.random.key(seed)
    k_x, k_r, k_t = jax.random.split(key, 3)
    x = jax.random.randint(k_x, (BATCH, 3), 0, NUM_MODEL, dtype=jnp.int64 if jax.config.jax_enable_x64 else jnp.int32).astype(jnp.int32)
    R = _xavier_uniform(k_r, (NUM_MODEL, 1))
    Theta = _xavier_uniform(k_t, (NUM_JUDGE, 1))
    return {"x": x, "R": R, "Theta": Theta}

def reference(x, R, Theta):
    i = x[:, 0]
    j = x[:, 1]
    k = x[:, 2]
    R_i = jnp.take(R, i, axis=0)
    R_j = jnp.take(R, j, axis=0)
    theta = jnp.take(Theta, k, axis=0) / jnp.sum(Theta)
    p = theta * (R_i - R_j)
    return p

if __name__ == "__main__":
    import jax
    _d = setup_inputs()
    print(jax.jit(kernel)(*tuple(_d.values())))

</pallas_src>

<mosaic_0001>
#map = affine_map<(d0, d1) -> (0)>
#map1 = affine_map<(d0, d1) -> (0, 0)>
module attributes {stable_mosaic.version = 14 : i64} {
  func.func @_sum_body(%arg0: i32, %arg1: i32, %arg2: memref<1000448xf32, #tpu.memory_space<hbm>>, %arg3: memref<32x16xf32, #tpu.memory_space<hbm>>, %arg4: memref<31264xf32, #tpu.memory_space<vmem>>, %arg5: memref<16xf32, #tpu.memory_space<vmem>>, %arg6: memref<!tpu.dma_semaphore, #tpu.memory_space<semaphore_mem>>) attributes {dimension_semantics = [#tpu.dimension_semantics<core_parallel>, #tpu.dimension_semantics<subcore_parallel>], iteration_bounds = array<i64: 2, 16>, scalar_prefetch = 0 : i64, scratch_operands = 3 : i64, tpu.core_type = #tpu.core_type<sc_vector_subcore>, window_params = [{transform_indices = #map}, {transform_indices = #map1}]} {
    %mul3A = arith.constant 2 : i32
    %mul3A_0 = arith.muli %arg1, %mul3A : i32
    %add3A = arith.addi %mul3A_0, %arg0 : i32
    %mul3A_1 = arith.constant 31264 : i32
    %mul3A_2 = arith.muli %add3A, %mul3A_1 : i32
    %dma_start3A = tpu.memref_slice %arg2[%mul3A_2] : memref<1000448xf32, #tpu.memory_space<hbm>> -> memref<31264xf32, #tpu.memory_space<hbm>>
    %dma_start3A_3 = tpu.memref_slice %arg2[%mul3A_2] : memref<1000448xf32, #tpu.memory_space<hbm>> -> memref<31264xf32, #tpu.memory_space<hbm>>
    tpu.enqueue_dma source(%dma_start3A_3 : memref<31264xf32, #tpu.memory_space<hbm>>) target(%arg4 : memref<31264xf32, #tpu.memory_space<vmem>>) target_semaphore(%arg6 : memref<!tpu.dma_semaphore, #tpu.memory_space<semaphore_mem>>)
    %dma_wait3A = tpu.memref_slice %arg2[%mul3A_2] : memref<1000448xf32, #tpu.memory_space<hbm>> -> memref<31264xf32, #tpu.memory_space<hbm>>
    %dma_wait3A_4 = tpu.memref_slice %arg2[%mul3A_2] : memref<1000448xf32, #tpu.memory_space<hbm>> -> memref<31264xf32, #tpu.memory_space<hbm>>
    tpu.wait_dma2 semaphore(%arg6 : memref<!tpu.dma_semaphore, #tpu.memory_space<semaphore_mem>>) src(%dma_wait3A_4 : memref<31264xf32, #tpu.memory_space<hbm>>) dst(%arg4 : memref<31264xf32, #tpu.memory_space<vmem>>)
    %broadcast_in_dim3A = arith.constant 0.000000e+00 : f32
    %broadcast_in_dim3A_5 = vector.broadcast %broadcast_in_dim3A : f32 to vector<16xf32>
    %scan3A = arith.constant 0 : i32
    %scan3A_6 = arith.constant 122 : i32
    %scan3A_7 = arith.addi %scan3A, %scan3A_6 : i32
    %scan3A_8 = arith.constant 1 : i32
    %scan3A_9:4 = scf.for %scan3A_24 = %scan3A to %scan3A_7 step %scan3A_8 iter_args(%scan3A_25 = %broadcast_in_dim3A_5, %scan3A_26 = %broadcast_in_dim3A_5, %scan3A_27 = %broadcast_in_dim3A_5, %scan3A_28 = %broadcast_in_dim3A_5) -> (vector<16xf32>, vector<16xf32>, vector<16xf32>, vector<16xf32>)  : i32 {
      %mul3A_29 = arith.constant 256 : i32
      %mul3A_30 = arith.muli %scan3A_24, %mul3A_29 : i32
      %add3A_31 = arith.constant 0 : i32
      %add3A_32 = arith.addi %mul3A_30, %add3A_31 : i32
      %get3A_33 = arith.index_cast %add3A_32 : i32 to index
      %get3A_34 = tpu.vector_load %arg4[%get3A_33] {strides = array<i32>} : memref<31264xf32, #tpu.memory_space<vmem>>, vector<16xf32>,
      %get3A_35 = vector.shape_cast %get3A_34 : vector<16xf32> to vector<16xf32>
      %add3A_36 = arith.addf %scan3A_25, %get3A_35 : vector<16xf32>
      %add3A_37 = arith.constant 16 : i32
      %add3A_38 = arith.addi %mul3A_30, %add3A_37 : i32
      %get3A_39 = arith.index_cast %add3A_38 : i32 to index
      %get3A_40 = tpu.vector_load %arg4[%get3A_39] {strides = array<i32>} : memref<31264xf32, #tpu.memory_space<vmem>>, vector<16xf32>,
      %get3A_41 = vector.shape_cast %get3A_40 : vector<16xf32> to vector<16xf32>
      %add3A_42 = arith.addf %scan3A_26, %get3A_41 : vector<16xf32>
      %add3A_43 = arith.constant 32 : i32
      %add3A_44 = arith.addi %mul3A_30, %add3A_43 : i32
      %get3A_45 = arith.index_cast %add3A_44 : i32 to index
      %get3A_46 = tpu.vector_load %arg4[%get3A_45] {strides = array<i32>} : memref<31264xf32, #tpu.memory_space<vmem>>, vector<16xf32>,
      %get3A_47 = vector.shape_cast %get3A_46 : vector<16xf32> to vector<16xf32>
      %add3A_48 = arith.addf %scan3A_27, %get3A_47 : vector<16xf32>
      %add3A_49 = arith.constant 48 : i32
      %add3A_50 = arith.addi %mul3A_30, %add3A_49 : i32
      %get3A_51 = arith.index_cast %add3A_50 : i32 to index
      %get3A_52 = tpu.vector_load %arg4[%get3A_51] {strides = array<i32>} : memref<31264xf32, #tpu.memory_space<vmem>>, vector<16xf32>,
      %get3A_53 = vector.shape_cast %get3A_52 : vector<16xf32> to vector<16xf32>
      %add3A_54 = arith.addf %scan3A_28, %get3A_53 : vector<16xf32>
      %add3A_55 = arith.constant 64 : i32
      %add3A_56 = arith.addi %mul3A_30, %add3A_55 : i32
      %get3A_57 = arith.index_cast %add3A_56 : i32 to index
      %get3A_58 = tpu.vector_load %arg4[%get3A_57] {strides = array<i32>} : memref<31264xf32, #tpu.memory_space<vmem>>, vector<16xf32>,
      %get3A_59 = vector.shape_cast %get3A_58 : vector<16xf32> to vector<16xf32>
      %add3A_60 = arith.addf %add3A_36, %get3A_59 : vector<16xf32>
      %add3A_61 = arith.constant 80 : i32
      %add3A_62 = arith.addi %mul3A_30, %add3A_61 : i32
      %get3A_63 = arith.index_cast %add3A_62 : i32 to index
      %get3A_64 = tpu.vector_load %arg4[%get3A_63] {strides = array<i32>} : memref<31264xf32, #tpu.memory_space<vmem>>, vector<16xf32>,
      %get3A_65 = vector.shape_cast %get3A_64 : vector<16xf32> to vector<16xf32>
      %add3A_66 = arith.addf %add3A_42, %get3A_65 : vector<16xf32>
      %add3A_67 = arith.constant 96 : i32
      %add3A_68 = arith.addi %mul3A_30, %add3A_67 : i32
      %get3A_69 = arith.index_cast %add3A_68 : i32 to index
      %get3A_70 = tpu.vector_load %arg4[%get3A_69] {strides = array<i32>} : memref<31264xf32, #tpu.memory_space<vmem>>, vector<16xf32>,
      %get3A_71 = vector.shape_cast %get3A_70 : vector<16xf32> to vector<16xf32>
      %add3A_72 = arith.addf %add3A_48, %get3A_71 : vector<16xf32>
      %add3A_73 = arith.constant 112 : i32
      %add3A_74 = arith.addi %mul3A_30, %add3A_73 : i32
      %get3A_75 = arith.index_cast %add3A_74 : i32 to index
      %get3A_76 = tpu.vector_load %arg4[%get3A_75] {strides = array<i32>} : memref<31264xf32, #tpu.memory_space<vmem>>, vector<16xf32>,
      %get3A_77 = vector.shape_cast %get3A_76 : vector<16xf32> to vector<16xf32>
      %add3A_78 = arith.addf %add3A_54, %get3A_77 : vector<16xf32>
      %add3A_79 = arith.constant 128 : i32
      %add3A_80 = arith.addi %mul3A_30, %add3A_79 : i32
      %get3A_81 = arith.index_cast %add3A_80 : i32 to index
      %get3A_82 = tpu.vector_load %arg4[%get3A_81] {strides = array<i32>} : memref<31264xf32, #tpu.memory_space<vmem>>, vector<16xf32>,
      %get3A_83 = vector.shape_cast %get3A_82 : vector<16xf32> to vector<16xf32>
      %add3A_84 = arith.addf %add3A_60, %get3A_83 : vector<16xf32>
      %add3A_85 = arith.constant 144 : i32
      %add3A_86 = arith.addi %mul3A_30, %add3A_85 : i32
      %get3A_87 = arith.index_cast %add3A_86 : i32 to index
      %get3A_88 = tpu.vector_load %arg4[%get3A_87] {strides = array<i32>} : memref<31264xf32, #tpu.memory_space<vmem>>, vector<16xf32>,
      %get3A_89 = vector.shape_cast %get3A_88 : vector<16xf32> to vector<16xf32>
      %add3A_90 = arith.addf %add3A_66, %get3A_89 : vector<16xf32>
      %add3A_91 = arith.constant 160 : i32
      %add3A_92 = arith.addi %mul3A_30, %add3A_91 : i32
      %get3A_93 = arith.index_cast %add3A_92 : i32 to index
      %get3A_94 = tpu.vector_load %arg4[%get3A_93] {strides = array<i32>} : memref<31264xf32, #tpu.memory_space<vmem>>, vector<16xf32>,
      %get3A_95 = vector.shape_cast %get3A_94 : vector<16xf32> to vector<16xf32>
      %add3A_96 = arith.addf %add3A_72, %get3A_95 : vector<16xf32>
      %add3A_97 = arith.constant 176 : i32
      %add3A_98 = arith.addi %mul3A_30, %add3A_97 : i32
      %get3A_99 = arith.index_cast %add3A_98 : i32 to index
      %get3A_100 = tpu.vector_load %arg4[%get3A_99] {strides = array<i32>} : memref<31264xf32, #tpu.memory_space<vmem>>, vector<16xf32>,
      %get3A_101 = vector.shape_cast %get3A_100 : vector<16xf32> to vector<16xf32>
      %add3A_102 = arith.addf %add3A_78, %get3A_101 : vector<16xf32>
      %add3A_103 = arith.constant 192 : i32
      %add3A_104 = arith.addi %mul3A_30, %add3A_103 : i32
      %get3A_105 = arith.index_cast %add3A_104 : i32 to index
      %get3A_106 = tpu.vector_load %arg4[%get3A_105] {strides = array<i32>} : memref<31264xf32, #tpu.memory_space<vmem>>, vector<16xf32>,
      %get3A_107 = vector.shape_cast %get3A_106 : vector<16xf32> to vector<16xf32>
      %add3A_108 = arith.addf %add3A_84, %get3A_107 : vector<16xf32>
      %add3A_109 = arith.constant 208 : i32
      %add3A_110 = arith.addi %mul3A_30, %add3A_109 : i32
      %get3A_111 = arith.index_cast %add3A_110 : i32 to index
      %get3A_112 = tpu.vector_load %arg4[%get3A_111] {strides = array<i32>} : memref<31264xf32, #tpu.memory_space<vmem>>, vector<16xf32>,
      %get3A_113 = vector.shape_cast %get3A_112 : vector<16xf32> to vector<16xf32>
      %add3A_114 = arith.addf %add3A_90, %get3A_113 : vector<16xf32>
      %add3A_115 = arith.constant 224 : i32
      %add3A_116 = arith.addi %mul3A_30, %add3A_115 : i32
      %get3A_117 = arith.index_cast %add3A_116 : i32 to index
      %get3A_118 = tpu.vector_load %arg4[%get3A_117] {strides = array<i32>} : memref<31264xf32, #tpu.memory_space<vmem>>, vector<16xf32>,
      %get3A_119 = vector.shape_cast %get3A_118 : vector<16xf32> to vector<16xf32>
      %add3A_120 = arith.addf %add3A_96, %get3A_119 : vector<16xf32>
      %add3A_121 = arith.constant 240 : i32
      %add3A_122 = arith.addi %mul3A_30, %add3A_121 : i32
      %get3A_123 = arith.index_cast %add3A_122 : i32 to index
      %get3A_124 = tpu.vector_load %arg4[%get3A_123] {strides = array<i32>} : memref<31264xf32, #tpu.memory_space<vmem>>, vector<16xf32>,
      %get3A_125 = vector.shape_cast %get3A_124 : vector<16xf32> to vector<16xf32>
      %add3A_126 = arith.addf %add3A_102, %get3A_125 : vector<16xf32>
      scf.yield %add3A_108, %add3A_114, %add3A_120, %add3A_126 : vector<16xf32>, vector<16xf32>, vector<16xf32>, vector<16xf32>
    }
    %scan3A_10 = arith.constant 122 : i32
    %add3A_11 = arith.addf %scan3A_9#0, %scan3A_9#1 : vector<16xf32>
    %add3A_12 = arith.addf %add3A_11, %scan3A_9#2 : vector<16xf32>
    %add3A_13 = arith.addf %add3A_12, %scan3A_9#3 : vector<16xf32>
    %get3A = arith.constant 31232 : index
    %get3A_14 = tpu.vector_load %arg4[%get3A] {strides = array<i32>} : memref<31264xf32, #tpu.memory_space<vmem>>, vector<16xf32>,
    %get3A_15 = vector.shape_cast %get3A_14 : vector<16xf32> to vector<16xf32>
    %add3A_16 = arith.addf %add3A_13, %get3A_15 : vector<16xf32>
    %get3A_17 = arith.constant 31248 : index
    %get3A_18 = tpu.vector_load %arg4[%get3A_17] {strides = array<i32>} : memref<31264xf32, #tpu.memory_space<vmem>>, vector<16xf32>,
    %get3A_19 = vector.shape_cast %get3A_18 : vector<16xf32> to vector<16xf32>
    %add3A_20 = arith.addf %add3A_16, %get3A_19 : vector<16xf32>
    %swap3A = arith.constant 0 : index
    %swap3A_21 = tpu.vector_load %arg5[%swap3A] {strides = array<i32>} : memref<16xf32, #tpu.memory_space<vmem>>, vector<16xf32>,
    %swap3A_22 = vector.shape_cast %swap3A_21 : vector<16xf32> to vector<16xf32>
    %swap3A_23 = vector.shape_cast %add3A_20 : vector<16xf32> to vector<16xf32>
    tpu.vector_store %arg5[%swap3A], %swap3A_23 {strides = array<i32>} : memref<16xf32, #tpu.memory_space<vmem>>, vector<16xf32>,
    "tpu.region"() ({
      %run_scoped3A = tpu.sem_alloc : memref<!tpu.dma_semaphore, #tpu.memory_space<semaphore_mem>>
      %dma_start3A_24 = arith.constant 0 : i32
      %dma_start3A_25 = tpu.memref_slice %arg3[%add3A, %dma_start3A_24] : memref<32x16xf32, #tpu.memory_space<hbm>> -> memref<1x16xf32, #tpu.memory_space<hbm>>
      %dma_start3A_26 = tpu.memref_squeeze %dma_start3A_25 : memref<1x16xf32, #tpu.memory_space<hbm>> -> memref<16xf32, #tpu.memory_space<hbm>>
      %dma_start3A_27 = arith.constant 0 : i32
      %dma_start3A_28 = tpu.memref_slice %arg3[%add3A, %dma_start3A_27] : memref<32x16xf32, #tpu.memory_space<hbm>> -> memref<1x16xf32, #tpu.memory_space<hbm>>
      %dma_start3A_29 = tpu.memref_squeeze %dma_start3A_28 : memref<1x16xf32, #tpu.memory_space<hbm>> -> memref<16xf32, #tpu.memory_space<hbm>>
      tpu.enqueue_dma source(%arg5 : memref<16xf32, #tpu.memory_space<vmem>>) target(%dma_start3A_29 : memref<16xf32, #tpu.memory_space<hbm>>) target_semaphore(%run_scoped3A : memref<!tpu.dma_semaphore, #tpu.memory_space<semaphore_mem>>)
      %dma_wait3A_30 = arith.constant 0 : i32
      %dma_wait3A_31 = tpu.memref_slice %arg3[%add3A, %dma_wait3A_30] : memref<32x16xf32, #tpu.memory_space<hbm>> -> memref<1x16xf32, #tpu.memory_space<hbm>>
      %dma_wait3A_32 = tpu.memref_squeeze %dma_wait3A_31 : memref<1x16xf32, #tpu.memory_space<hbm>> -> memref<16xf32, #tpu.memory_space<hbm>>
      %dma_wait3A_33 = arith.constant 0 : i32
      %dma_wait3A_34 = tpu.memref_slice %arg3[%add3A, %dma_wait3A_33] : memref<32x16xf32, #tpu.memory_space<hbm>> -> memref<1x16xf32, #tpu.memory_space<hbm>>
      %dma_wait3A_35 = tpu.memref_squeeze %dma_wait3A_34 : memref<1x16xf32, #tpu.memory_space<hbm>> -> memref<16xf32, #tpu.memory_space<hbm>>
      tpu.wait_dma2 semaphore(%run_scoped3A : memref<!tpu.dma_semaphore, #tpu.memory_space<semaphore_mem>>) src(%arg5 : memref<16xf32, #tpu.memory_space<vmem>>) dst(%dma_wait3A_35 : memref<16xf32, #tpu.memory_space<hbm>>)
      tpu.yield
    }) : () -> ()
    return
  }
}

#map = affine_map<(d0, d1) -> (0, 0, 0)>
#map1 = affine_map<(d0, d1) -> (0)>
#map2 = affine_map<(d0, d1) -> (0, 0)>
module attributes {stable_mosaic.version = 14 : i64} {
  func.func @_gather_body(%arg0: i32, %arg1: i32, %arg2: memref<32x4x128xi32, #tpu.memory_space<hbm>>, %arg3: memref<32x4x128xi32, #tpu.memory_space<hbm>>, %arg4: memref<32x4x128xi32, #tpu.memory_space<hbm>>, %arg5: memref<1000448xf32, #tpu.memory_space<hbm>>, %arg6: memref<1000448xf32, #tpu.memory_space<hbm>>, %arg7: memref<32x16xf32, #tpu.memory_space<hbm>>, %arg8: memref<16384xf32, #tpu.memory_space<hbm>>, %arg9: memref<4x128xi32, #tpu.memory_space<vmem>>, %arg10: memref<4x128xi32, #tpu.memory_space<vmem>>, %arg11: memref<4x128xi32, #tpu.memory_space<vmem>>, %arg12: memref<512xf32, #tpu.memory_space<vmem>>, %arg13: memref<512xf32, #tpu.memory_space<vmem>>, %arg14: memref<512xf32, #tpu.memory_space<vmem>>, %arg15: memref<512xf32, #tpu.memory_space<vmem>>, %arg16: memref<32x16xf32, #tpu.memory_space<vmem>>, %arg17: memref<!tpu.dma_semaphore, #tpu.memory_space<semaphore_mem>>, %arg18: memref<!tpu.dma_semaphore, #tpu.memory_space<semaphore_mem>>, %arg19: memref<!tpu.dma_semaphore, #tpu.memory_space<semaphore_mem>>, %arg20: memref<!tpu.dma_semaphore, #tpu.memory_space<semaphore_mem>>) attributes {dimension_semantics = [#tpu.dimension_semantics<core_parallel>, #tpu.dimension_semantics<subcore_parallel>], iteration_bounds = array<i64: 2, 16>, scalar_prefetch = 0 : i64, scratch_operands = 12 : i64, tpu.core_type = #tpu.core_type<sc_vector_subcore>, window_params = [{transform_indices = #map}, {transform_indices = #map}, {transform_indices = #map}, {transform_indices = #map1}, {transform_indices = #map1}, {transform_indices = #map2}, {transform_indices = #map1}]} {
    %mul3A = arith.constant 2 : i32
    %mul3A_0 = arith.muli %arg1, %mul3A : i32
    %add3A = arith.addi %mul3A_0, %arg0 : i32
    tpu.enqueue_dma source(%arg7 : memref<32x16xf32, #tpu.memory_space<hbm>>) target(%arg16 : memref<32x16xf32, #tpu.memory_space<vmem>>) target_semaphore(%arg20 : memref<!tpu.dma_semaphore, #tpu.memory_space<semaphore_mem>>)
    "tpu.region"() ({
      %run_scoped3A = tpu.sem_alloc : memref<!tpu.dma_semaphore, #tpu.memory_space<semaphore_mem>>
      %dma_start3A_940 = arith.constant 0 : i32
      %dma_start3A_941 = arith.constant 0 : i32
      %dma_start3A_942 = tpu.memref_slice %arg2[%add3A, %dma_start3A_940, %dma_start3A_941] : memref<32x4x128xi32, #tpu.memory_space<hbm>> -> memref<1x4x128xi32, #tpu.memory_space<hbm>>
      %dma_start3A_943 = tpu.memref_squeeze %dma_start3A_942 : memref<1x4x128xi32, #tpu.memory_space<hbm>> -> memref<4x128xi32, #tpu.memory_space<hbm>>
      %dma_start3A_944 = arith.constant 0 : i32
      %dma_start3A_945 = arith.constant 0 : i32
      %dma_start3A_946 = tpu.memref_slice %arg2[%add3A, %dma_start3A_944, %dma_start3A_945] : memref<32x4x128xi32, #tpu.memory_space<hbm>> -> memref<1x4x128xi32, #tpu.memory_space<hbm>>
      %dma_start3A_947 = tpu.memref_squeeze %dma_start3A_946 : memref<1x4x128xi32, #tpu.memory_space<hbm>> -> memref<4x128xi32, #tpu.memory_space<hbm>>
      tpu.enqueue_dma source(%dma_start3A_947 : memref<4x128xi32, #tpu.memory_space<hbm>>) target(%arg9 : memref<4x128xi32, #tpu.memory_space<vmem>>) target_semaphore(%run_scoped3A : memref<!tpu.dma_semaphore, #tpu.memory_space<semaphore_mem>>)
      %dma_wait3A_948 = arith.constant 0 : i32
      %dma_wait3A_949 = arith.constant 0 : i32
      %dma_wait3A_950 = tpu.memref_slice %arg2[%add3A, %dma_wait3A_948, %dma_wait3A_949] : memref<32x4x128xi32, #tpu.memory_space<hbm>> -> memref<1x4x128xi32, #tpu.memory_space<hbm>>
      %dma_wait3A_951 = tpu.memref_squeeze %dma_wait3A_950 : memref<1x4x128xi32, #tpu.memory_space<hbm>> -> memref<4x128xi32, #tpu.memory_space<hbm>>
      %dma_wait3A_952 = arith.constant 0 : i32
      %dma_wait3A_953 = arith.constant 0 : i32
      %dma_wait3A_954 = tpu.memref_slice %arg2[%add3A, %dma_wait3A_952, %dma_wait3A_953] : memref<32x4x128xi32, #tpu.memory_space<hbm>> -> memref<1x4x128xi32, #tpu.memory_space<hbm>>
      %dma_wait3A_955 = tpu.memref_squeeze %dma_wait3A_954 : memref<1x4x128xi32, #tpu.memory_space<hbm>> -> memref<4x128xi32, #tpu.memory_space<hbm>>
      tpu.wait_dma2 semaphore(%run_scoped3A : memref<!tpu.dma_semaphore, #tpu.memory_space<semaphore_mem>>) src(%dma_wait3A_955 : memref<4x128xi32, #tpu.memory_space<hbm>>) dst(%arg9 : memref<4x128xi32, #tpu.memory_space<vmem>>)
      tpu.yield
    }) : () -> ()
    "tpu.region"() ({
      %run_scoped3A = tpu.sem_alloc : memref<!tpu.dma_semaphore, #tpu.memory_space<semaphore_mem>>
      %dma_start3A_940 = arith.constant 0 : i32
      %dma_start3A_941 = arith.constant 0 : i32
      %dma_start3A_942 = tpu.memref_slice %arg3[%add3A, %dma_start3A_940, %dma_start3A_941] : memref<32x4x128xi32, #tpu.memory_space<hbm>> -> memref<1x4x128xi32, #tpu.memory_space<hbm>>
      %dma_start3A_943 = tpu.memref_squeeze %dma_start3A_942 : memref<1x4x128xi32, #tpu.memory_space<hbm>> -> memref<4x128xi32, #tpu.memory_space<hbm>>
      %dma_start3A_944 = arith.constant 0 : i32
      %dma_start3A_945 = arith.constant 0 : i32
      %dma_start3A_946 = tpu.memref_slice %arg3[%add3A, %dma_start3A_944, %dma_start3A_945] : memref<32x4x128xi32, #tpu.memory_space<hbm>> -> memref<1x4x128xi32, #tpu.memory_space<hbm>>
      %dma_start3A_947 = tpu.memref_squeeze %dma_start3A_946 : memref<1x4x128xi32, #tpu.memory_space<hbm>> -> memref<4x128xi32, #tpu.memory_space<hbm>>
      tpu.enqueue_dma source(%dma_start3A_947 : memref<4x128xi32, #tpu.memory_space<hbm>>) target(%arg10 : memref<4x128xi32, #tpu.memory_space<vmem>>) target_semaphore(%run_scoped3A : memref<!tpu.dma_semaphore, #tpu.memory_space<semaphore_mem>>)
      %dma_wait3A_948 = arith.constant 0 : i32
      %dma_wait3A_949 = arith.constant 0 : i32
      %dma_wait3A_950 = tpu.memref_slice %arg3[%add3A, %dma_wait3A_948, %dma_wait3A_949] : memref<32x4x128xi32, #tpu.memory_space<hbm>> -> memref<1x4x128xi32, #tpu.memory_space<hbm>>
      %dma_wait3A_951 = tpu.memref_squeeze %dma_wait3A_950 : memref<1x4x128xi32, #tpu.memory_space<hbm>> -> memref<4x128xi32, #tpu.memory_space<hbm>>
      %dma_wait3A_952 = arith.constant 0 : i32
      %dma_wait3A_953 = arith.constant 0 : i32
      %dma_wait3A_954 = tpu.memref_slice %arg3[%add3A, %dma_wait3A_952, %dma_wait3A_953] : memref<32x4x128xi32, #tpu.memory_space<hbm>> -> memref<1x4x128xi32, #tpu.memory_space<hbm>>
      %dma_wait3A_955 = tpu.memref_squeeze %dma_wait3A_954 : memref<1x4x128xi32, #tpu.memory_space<hbm>> -> memref<4x128xi32, #tpu.memory_space<hbm>>
      tpu.wait_dma2 semaphore(%run_scoped3A : memref<!tpu.dma_semaphore, #tpu.memory_space<semaphore_mem>>) src(%dma_wait3A_955 : memref<4x128xi32, #tpu.memory_space<hbm>>) dst(%arg10 : memref<4x128xi32, #tpu.memory_space<vmem>>)
      tpu.yield
    }) : () -> ()
    "tpu.region"() ({
      %run_scoped3A = tpu.sem_alloc : memref<!tpu.dma_semaphore, #tpu.memory_space<semaphore_mem>>
      %dma_start3A_940 = arith.constant 0 : i32
      %dma_start3A_941 = arith.constant 0 : i32
      %dma_start3A_942 = tpu.memref_slice %arg4[%add3A, %dma_start3A_940, %dma_start3A_941] : memref<32x4x128xi32, #tpu.memory_space<hbm>> -> memref<1x4x128xi32, #tpu.memory_space<hbm>>
      %dma_start3A_943 = tpu.memref_squeeze %dma_start3A_942 : memref<1x4x128xi32, #tpu.memory_space<hbm>> -> memref<4x128xi32, #tpu.memory_space<hbm>>
      %dma_start3A_944 = arith.constant 0 : i32
      %dma_start3A_945 = arith.constant 0 : i32
      %dma_start3A_946 = tpu.memref_slice %arg4[%add3A, %dma_start3A_944, %dma_start3A_945] : memref<32x4x128xi32, #tpu.memory_space<hbm>> -> memref<1x4x128xi32, #tpu.memory_space<hbm>>
      %dma_start3A_947 = tpu.memref_squeeze %dma_start3A_946 : memref<1x4x128xi32, #tpu.memory_space<hbm>> -> memref<4x128xi32, #tpu.memory_space<hbm>>
      tpu.enqueue_dma source(%dma_start3A_947 : memref<4x128xi32, #tpu.memory_space<hbm>>) target(%arg11 : memref<4x128xi32, #tpu.memory_space<vmem>>) target_semaphore(%run_scoped3A : memref<!tpu.dma_semaphore, #tpu.memory_space<semaphore_mem>>)
      %dma_wait3A_948 = arith.constant 0 : i32
      %dma_wait3A_949 = arith.constant 0 : i32
      %dma_wait3A_950 = tpu.memref_slice %arg4[%add3A, %dma_wait3A_948, %dma_wait3A_949] : memref<32x4x128xi32, #tpu.memory_space<hbm>> -> memref<1x4x128xi32, #tpu.memory_space<hbm>>
      %dma_wait3A_951 = tpu.memref_squeeze %dma_wait3A_950 : memref<1x4x128xi32, #tpu.memory_space<hbm>> -> memref<4x128xi32, #tpu.memory_space<hbm>>
      %dma_wait3A_952 = arith.constant 0 : i32
      %dma_wait3A_953 = arith.constant 0 : i32
      %dma_wait3A_954 = tpu.memref_slice %arg4[%add3A, %dma_wait3A_952, %dma_wait3A_953] : memref<32x4x128xi32, #tpu.memory_space<hbm>> -> memref<1x4x128xi32, #tpu.memory_space<hbm>>
      %dma_wait3A_955 = tpu.memref_squeeze %dma_wait3A_954 : memref<1x4x128xi32, #tpu.memory_space<hbm>> -> memref<4x128xi32, #tpu.memory_space<hbm>>
      tpu.wait_dma2 semaphore(%run_scoped3A : memref<!tpu.dma_semaphore, #tpu.memory_space<semaphore_mem>>) src(%dma_wait3A_955 : memref<4x128xi32, #tpu.memory_space<hbm>>) dst(%arg11 : memref<4x128xi32, #tpu.memory_space<vmem>>)
      tpu.yield
    }) : () -> ()
    %dma_start3A = arith.constant 0 : i32
    %dma_start3A_1 = arith.constant 0 : i32
    %dma_start3A_2 = tpu.memref_slice %arg12[%dma_start3A_1] : memref<512xf32, #tpu.memory_space<vmem>> -> memref<128xf32, #tpu.memory_space<vmem>>
    %dma_start3A_3 = arith.constant 0 : i32
    %dma_start3A_4 = tpu.memref_slice %arg9[%dma_start3A, %dma_start3A_3] : memref<4x128xi32, #tpu.memory_space<vmem>> -> memref<1x128xi32, #tpu.memory_space<vmem>>
    %dma_start3A_5 = tpu.memref_squeeze %dma_start3A_4 : memref<1x128xi32, #tpu.memory_space<vmem>> -> memref<128xi32, #tpu.memory_space<vmem>>
    %dma_start3A_6 = arith.constant 0 : i32
    %dma_start3A_7 = tpu.memref_slice %arg5[%dma_start3A_6] : memref<1000448xf32, #tpu.memory_space<hbm>> -> memref<1000448xf32, #tpu.memory_space<hbm>>
    tpu.enqueue_indirect_dma source(%dma_start3A_7 : memref<1000448xf32, #tpu.memory_space<hbm>>) target(%dma_start3A_2 : memref<128xf32, #tpu.memory_space<vmem>>) offsets(%dma_start3A_5 : memref<128xi32, #tpu.memory_space<vmem>>) semaphore(%arg17 : memref<!tpu.dma_semaphore, #tpu.memory_space<semaphore_mem>>)
    %dma_start3A_8 = arith.constant 0 : i32
    %dma_start3A_9 = arith.constant 0 : i32
    %dma_start3A_10 = tpu.memref_slice %arg13[%dma_start3A_9] : memref<512xf32, #tpu.memory_space<vmem>> -> memref<128xf32, #tpu.memory_space<vmem>>
    %dma_start3A_11 = arith.constant 0 : i32
    %dma_start3A_12 = tpu.memref_slice %arg10[%dma_start3A_8, %dma_start3A_11] : memref<4x128xi32, #tpu.memory_space<vmem>> -> memref<1x128xi32, #tpu.memory_space<vmem>>
    %dma_start3A_13 = tpu.memref_squeeze %dma_start3A_12 : memref<1x128xi32, #tpu.memory_space<vmem>> -> memref<128xi32, #tpu.memory_space<vmem>>
    %dma_start3A_14 = arith.constant 0 : i32
    %dma_start3A_15 = tpu.memref_slice %arg5[%dma_start3A_14] : memref<1000448xf32, #tpu.memory_space<hbm>> -> memref<1000448xf32, #tpu.memory_space<hbm>>
    tpu.enqueue_indirect_dma source(%dma_start3A_15 : memref<1000448xf32, #tpu.memory_space<hbm>>) target(%dma_start3A_10 : memref<128xf32, #tpu.memory_space<vmem>>) offsets(%dma_start3A_13 : memref<128xi32, #tpu.memory_space<vmem>>) semaphore(%arg18 : memref<!tpu.dma_semaphore, #tpu.memory_space<semaphore_mem>>)
    %dma_start3A_16 = arith.constant 0 : i32
    %dma_start3A_17 = arith.constant 0 : i32
    %dma_start3A_18 = tpu.memref_slice %arg14[%dma_start3A_17] : memref<512xf32, #tpu.memory_space<vmem>> -> memref<128xf32, #tpu.memory_space<vmem>>
    %dma_start3A_19 = arith.constant 0 : i32
    %dma_start3A_20 = tpu.memref_slice %arg11[%dma_start3A_16, %dma_start3A_19] : memref<4x128xi32, #tpu.memory_space<vmem>> -> memref<1x128xi32, #tpu.memory_space<vmem>>
    %dma_start3A_21 = tpu.memref_squeeze %dma_start3A_20 : memref<1x128xi32, #tpu.memory_space<vmem>> -> memref<128xi32, #tpu.memory_space<vmem>>
    %dma_start3A_22 = arith.constant 0 : i32
    %dma_start3A_23 = tpu.memref_slice %arg6[%dma_start3A_22] : memref<1000448xf32, #tpu.memory_space<hbm>> -> memref<1000448xf32, #tpu.memory_space<hbm>>
    tpu.enqueue_indirect_dma source(%dma_start3A_23 : memref<1000448xf32, #tpu.memory_space<hbm>>) target(%dma_start3A_18 : memref<128xf32, #tpu.memory_space<vmem>>) offsets(%dma_start3A_21 : memref<128xi32, #tpu.memory_space<vmem>>) semaphore(%arg19 : memref<!tpu.dma_semaphore, #tpu.memory_space<semaphore_mem>>)
    %dma_start3A_24 = arith.constant 1 : i32
    %dma_start3A_25 = arith.constant 128 : i32
    %dma_start3A_26 = tpu.memref_slice %arg12[%dma_start3A_25] : memref<512xf32, #tpu.memory_space<vmem>> -> memref<128xf32, #tpu.memory_space<vmem>>
    %dma_start3A_27 = arith.constant 0 : i32
    %dma_start3A_28 = tpu.memref_slice %arg9[%dma_start3A_24, %dma_start3A_27] : memref<4x128xi32, #tpu.memory_space<vmem>> -> memref<1x128xi32, #tpu.memory_space<vmem>>
    %dma_start3A_29 = tpu.memref_squeeze %dma_start3A_28 : memref<1x128xi32, #tpu.memory_space<vmem>> -> memref<128xi32, #tpu.memory_space<vmem>>
    %dma_start3A_30 = arith.constant 0 : i32
    %dma_start3A_31 = tpu.memref_slice %arg5[%dma_start3A_30] : memref<1000448xf32, #tpu.memory_space<hbm>> -> memref<1000448xf32, #tpu.memory_space<hbm>>
    tpu.enqueue_indirect_dma source(%dma_start3A_31 : memref<1000448xf32, #tpu.memory_space<hbm>>) target(%dma_start3A_26 : memref<128xf32, #tpu.memory_space<vmem>>) offsets(%dma_start3A_29 : memref<128xi32, #tpu.memory_space<vmem>>) semaphore(%arg17 : memref<!tpu.dma_semaphore, #tpu.memory_space<semaphore_mem>>)
    %dma_start3A_32 = arith.constant 1 : i32
    %dma_start3A_33 = arith.constant 128 : i32
    %dma_start3A_34 = tpu.memref_slice %arg13[%dma_start3A_33] : memref<512xf32, #tpu.memory_space<vmem>> -> memref<128xf32, #tpu.memory_space<vmem>>
    %dma_start3A_35 = arith.constant 0 : i32
    %dma_start3A_36 = tpu.memref_slice %arg10[%dma_start3A_32, %dma_start3A_35] : memref<4x128xi32, #tpu.memory_space<vmem>> -> memref<1x128xi32, #tpu.memory_space<vmem>>
    %dma_start3A_37 = tpu.memref_squeeze %dma_start3A_36 : memref<1x128xi32, #tpu.memory_space<vmem>> -> memref<128xi32, #tpu.memory_space<vmem>>
    %dma_start3A_38 = arith.constant 0 : i32
    %dma_start3A_39 = tpu.memref_slice %arg5[%dma_start3A_38] : memref<1000448xf32, #tpu.memory_space<hbm>> -> memref<1000448xf32, #tpu.memory_space<hbm>>
    tpu.enqueue_indirect_dma source(%dma_start3A_39 : memref<1000448xf32, #tpu.memory_space<hbm>>) target(%dma_start3A_34 : memref<128xf32, #tpu.memory_space<vmem>>) offsets(%dma_start3A_37 : memref<128xi32, #tpu.memory_space<vmem>>) semaphore(%arg18 : memref<!tpu.dma_semaphore, #tpu.memory_space<semaphore_mem>>)
    %dma_start3A_40 = arith.constant 1 : i32
    %dma_start3A_41 = arith.constant 128 : i32
    %dma_start3A_42 = tpu.memref_slice %arg14[%dma_start3A_41] : memref<512xf32, #tpu.memory_space<vmem>> -> memref<128xf32, #tpu.memory_space<vmem>>
    %dma_start3A_43 = arith.constant 0 : i32
    %dma_start3A_44 = tpu.memref_slice %arg11[%dma_start3A_40, %dma_start3A_43] : memref<4x128xi32, #tpu.memory_space<vmem>> -> memref<1x128xi32, #tpu.memory_space<vmem>>
    %dma_start3A_45 = tpu.memref_squeeze %dma_start3A_44 : memref<1x128xi32, #tpu.memory_space<vmem>> -> memref<128xi32, #tpu.memory_space<vmem>>
    %dma_start3A_46 = arith.constant 0 : i32
    %dma_start3A_47 = tpu.memref_slice %arg6[%dma_start3A_46] : memref<1000448xf32, #tpu.memory_space<hbm>> -> memref<1000448xf32, #tpu.memory_space<hbm>>
    tpu.enqueue_indirect_dma source(%dma_start3A_47 : memref<1000448xf32, #tpu.memory_space<hbm>>) target(%dma_start3A_42 : memref<128xf32, #tpu.memory_space<vmem>>) offsets(%dma_start3A_45 : memref<128xi32, #tpu.memory_space<vmem>>) semaphore(%arg19 : memref<!tpu.dma_semaphore, #tpu.memory_space<semaphore_mem>>)
    %dma_start3A_48 = arith.constant 2 : i32
    %dma_start3A_49 = arith.constant 256 : i32
    %dma_start3A_50 = tpu.memref_slice %arg12[%dma_start3A_49] : memref<512xf32, #tpu.memory_space<vmem>> -> memref<128xf32, #tpu.memory_space<vmem>>
    %dma_start3A_51 = arith.constant 0 : i32
    %dma_start3A_52 = tpu.memref_slice %arg9[%dma_start3A_48, %dma_start3A_51] : memref<4x128xi32, #tpu.memory_space<vmem>> -> memref<1x128xi32, #tpu.memory_space<vmem>>
    %dma_start3A_53 = tpu.memref_squeeze %dma_start3A_52 : memref<1x128xi32, #tpu.memory_space<vmem>> -> memref<128xi32, #tpu.memory_space<vmem>>
    %dma_start3A_54 = arith.constant 0 : i32
    %dma_start3A_55 = tpu.memref_slice %arg5[%dma_start3A_54] : memref<1000448xf32, #tpu.memory_space<hbm>> -> memref<1000448xf32, #tpu.memory_space<hbm>>
    tpu.enqueue_indirect_dma source(%dma_start3A_55 : memref<1000448xf32, #tpu.memory_space<hbm>>) target(%dma_start3A_50 : memref<128xf32, #tpu.memory_space<vmem>>) offsets(%dma_start3A_53 : memref<128xi32, #tpu.memory_space<vmem>>) semaphore(%arg17 : memref<!tpu.dma_semaphore, #tpu.memory_space<semaphore_mem>>)
    %dma_start3A_56 = arith.constant 2 : i32
    %dma_start3A_57 = arith.constant 256 : i32
    %dma_start3A_58 = tpu.memref_slice %arg13[%dma_start3A_57] : memref<512xf32, #tpu.memory_space<vmem>> -> memref<128xf32, #tpu.memory_space<vmem>>
    %dma_start3A_59 = arith.constant 0 : i32
    %dma_start3A_60 = tpu.memref_slice %arg10[%dma_start3A_56, %dma_start3A_59] : memref<4x128xi32, #tpu.memory_space<vmem>> -> memref<1x128xi32, #tpu.memory_space<vmem>>
    %dma_start3A_61 = tpu.memref_squeeze %dma_start3A_60 : memref<1x128xi32, #tpu.memory_space<vmem>> -> memref<128xi32, #tpu.memory_space<vmem>>
    %dma_start3A_62 = arith.constant 0 : i32
    %dma_start3A_63 = tpu.memref_slice %arg5[%dma_start3A_62] : memref<1000448xf32, #tpu.memory_space<hbm>> -> memref<1000448xf32, #tpu.memory_space<hbm>>
    tpu.enqueue_indirect_dma source(%dma_start3A_63 : memref<1000448xf32, #tpu.memory_space<hbm>>) target(%dma_start3A_58 : memref<128xf32, #tpu.memory_space<vmem>>) offsets(%dma_start3A_61 : memref<128xi32, #tpu.memory_space<vmem>>) semaphore(%arg18 : memref<!tpu.dma_semaphore, #tpu.memory_space<semaphore_mem>>)
    %dma_start3A_64 = arith.constant 2 : i32
    %dma_start3A_65 = arith.constant 256 : i32
    %dma_start3A_66 = tpu.memref_slice %arg14[%dma_start3A_65] : memref<512xf32, #tpu.memory_space<vmem>> -> memref<128xf32, #tpu.memory_space<vmem>>
    %dma_start3A_67 = arith.constant 0 : i32
    %dma_start3A_68 = tpu.memref_slice %arg11[%dma_start3A_64, %dma_start3A_67] : memref<4x128xi32, #tpu.memory_space<vmem>> -> memref<1x128xi32, #tpu.memory_space<vmem>>
    %dma_start3A_69 = tpu.memref_squeeze %dma_start3A_68 : memref<1x128xi32, #tpu.memory_space<vmem>> -> memref<128xi32, #tpu.memory_space<vmem>>
    %dma_start3A_70 = arith.constant 0 : i32
    %dma_start3A_71 = tpu.memref_slice %arg6[%dma_start3A_70] : memref<1000448xf32, #tpu.memory_space<hbm>> -> memref<1000448xf32, #tpu.memory_space<hbm>>
    tpu.enqueue_indirect_dma source(%dma_start3A_71 : memref<1000448xf32, #tpu.memory_space<hbm>>) target(%dma_start3A_66 : memref<128xf32, #tpu.memory_space<vmem>>) offsets(%dma_start3A_69 : memref<128xi32, #tpu.memory_space<vmem>>) semaphore(%arg19 : memref<!tpu.dma_semaphore, #tpu.memory_space<semaphore_mem>>)
    %dma_start3A_72 = arith.constant 3 : i32
    %dma_start3A_73 = arith.constant 384 : i32
    %dma_start3A_74 = tpu.memref_slice %arg12[%dma_start3A_73] : memref<512xf32, #tpu.memory_space<vmem>> -> memref<128xf32, #tpu.memory_space<vmem>>
    %dma_start3A_75 = arith.constant 0 : i32
    %dma_start3A_76 = tpu.memref_slice %arg9[%dma_start3A_72, %dma_start3A_75] : memref<4x128xi32, #tpu.memory_space<vmem>> -> memref<1x128xi32, #tpu.memory_space<vmem>>
    %dma_start3A_77 = tpu.memref_squeeze %dma_start3A_76 : memref<1x128xi32, #tpu.memory_space<vmem>> -> memref<128xi32, #tpu.memory_space<vmem>>
    %dma_start3A_78 = arith.constant 0 : i32
    %dma_start3A_79 = tpu.memref_slice %arg5[%dma_start3A_78] : memref<1000448xf32, #tpu.memory_space<hbm>> -> memref<1000448xf32, #tpu.memory_space<hbm>>
    tpu.enqueue_indirect_dma source(%dma_start3A_79 : memref<1000448xf32, #tpu.memory_space<hbm>>) target(%dma_start3A_74 : memref<128xf32, #tpu.memory_space<vmem>>) offsets(%dma_start3A_77 : memref<128xi32, #tpu.memory_space<vmem>>) semaphore(%arg17 : memref<!tpu.dma_semaphore, #tpu.memory_space<semaphore_mem>>)
    %dma_start3A_80 = arith.constant 3 : i32
    %dma_start3A_81 = arith.constant 384 : i32
    %dma_start3A_82 = tpu.memref_slice %arg13[%dma_start3A_81] : memref<512xf32, #tpu.memory_space<vmem>> -> memref<128xf32, #tpu.memory_space<vmem>>
    %dma_start3A_83 = arith.constant 0 : i32
    %dma_start3A_84 = tpu.memref_slice %arg10[%dma_start3A_80, %dma_start3A_83] : memref<4x128xi32, #tpu.memory_space<vmem>> -> memref<1x128xi32, #tpu.memory_space<vmem>>
    %dma_start3A_85 = tpu.memref_squeeze %dma_start3A_84 : memref<1x128xi32, #tpu.memory_space<vmem>> -> memref<128xi32, #tpu.memory_space<vmem>>
    %dma_start3A_86 = arith.constant 0 : i32
    %dma_start3A_87 = tpu.memref_slice %arg5[%dma_start3A_86] : memref<1000448xf32, #tpu.memory_space<hbm>> -> memref<1000448xf32, #tpu.memory_space<hbm>>
    tpu.enqueue_indirect_dma source(%dma_start3A_87 : memref<1000448xf32, #tpu.memory_space<hbm>>) target(%dma_start3A_82 : memref<128xf32, #tpu.memory_space<vmem>>) offsets(%dma_start3A_85 : memref<128xi32, #tpu.memory_space<vmem>>) semaphore(%arg18 : memref<!tpu.dma_semaphore, #tpu.memory_space<semaphore_mem>>)
    %dma_start3A_88 = arith.constant 3 : i32
    %dma_start3A_89 = arith.constant 384 : i32
    %dma_start3A_90 = tpu.memref_slice %arg14[%dma_start3A_89] : memref<512xf32, #tpu.memory_space<vmem>> -> memref<128xf32, #tpu.memory_space<vmem>>
    %dma_start3A_91 = arith.constant 0 : i32
    %dma_start3A_92 = tpu.memref_slice %arg11[%dma_start3A_88, %dma_start3A_91] : memref<4x128xi32, #tpu.memory_space<vmem>> -> memref<1x128xi32, #tpu.memory_space<vmem>>
    %dma_start3A_93 = tpu.memref_squeeze %dma_start3A_92 : memref<1x128xi32, #tpu.memory_space<vmem>> -> memref<128xi32, #tpu.memory_space<vmem>>
    %dma_start3A_94 = arith.constant 0 : i32
    %dma_start3A_95 = tpu.memref_slice %arg6[%dma_start3A_94] : memref<1000448xf32, #tpu.memory_space<hbm>> -> memref<1000448xf32, #tpu.memory_space<hbm>>
    tpu.enqueue_indirect_dma source(%dma_start3A_95 : memref<1000448xf32, #tpu.memory_space<hbm>>) target(%dma_start3A_90 : memref<128xf32, #tpu.memory_space<vmem>>) offsets(%dma_start3A_93 : memref<128xi32, #tpu.memory_space<vmem>>) semaphore(%arg19 : memref<!tpu.dma_semaphore, #tpu.memory_space<semaphore_mem>>)
    tpu.wait_dma2 semaphore(%arg20 : memref<!tpu.dma_semaphore, #tpu.memory_space<semaphore_mem>>) src(%arg7 : memref<32x16xf32, #tpu.memory_space<hbm>>) dst(%arg16 : memref<32x16xf32, #tpu.memory_space<vmem>>)
    %get3A = arith.constant 0 : i32
    %get3A_96 = arith.index_cast %get3A : i32 to index
    %get3A_97 = arith.constant 0 : index
    %get3A_98 = tpu.vector_load %arg16[%get3A_96, %get3A_97] {strides = array<i32>} : memref<32x16xf32, #tpu.memory_space<vmem>>, vector<1x16xf32>,
    %get3A_99 = vector.shape_cast %get3A_98 : vector<1x16xf32> to vector<16xf32>
    %get3A_100 = arith.constant 1 : i32
    %get3A_101 = arith.index_cast %get3A_100 : i32 to index
    %get3A_102 = arith.constant 0 : index
    %get3A_103 = tpu.vector_load %arg16[%get3A_101, %get3A_102] {strides = array<i32>} : memref<32x16xf32, #tpu.memory_space<vmem>>, vector<1x16xf32>,
    %get3A_104 = vector.shape_cast %get3A_103 : vector<1x16xf32> to vector<16xf32>
    %add3A_105 = arith.addf %get3A_99, %get3A_104 : vector<16xf32>
    %get3A_106 = arith.constant 2 : i32
    %get3A_107 = arith.index_cast %get3A_106 : i32 to index
    %get3A_108 = arith.constant 0 : index
    %get3A_109 = tpu.vector_load %arg16[%get3A_107, %get3A_108] {strides = array<i32>} : memref<32x16xf32, #tpu.memory_space<vmem>>, vector<1x16xf32>,
    %get3A_110 = vector.shape_cast %get3A_109 : vector<1x16xf32> to vector<16xf32>
    %add3A_111 = arith.addf %add3A_105, %get3A_110 : vector<16xf32>
    %get3A_112 = arith.constant 3 : i32
    %get3A_113 = arith.index_cast %get3A_112 : i32 to index
    %get3A_114 = arith.constant 0 : index
    %get3A_115 = tpu.vector_load %arg16[%get3A_113, %get3A_114] {strides = array<i32>} : memref<32x16xf32, #tpu.memory_space<vmem>>, vector<1x16xf32>,
    %get3A_116 = vector.shape_cast %get3A_115 : vector<1x16xf32> to vector<16xf32>
    %add3A_117 = arith.addf %add3A_111, %get3A_116 : vector<16xf32>
    %get3A_118 = arith.constant 4 : i32
    %get3A_119 = arith.index_cast %get3A_118 : i32 to index
    %get3A_120 = arith.constant 0 : index
    %get3A_121 = tpu.vector_load %arg16[%get3A_119, %get3A_120] {strides = array<i32>} : memref<32x16xf32, #tpu.memory_space<vmem>>, vector<1x16xf32>,
    %get3A_122 = vector.shape_cast %get3A_121 : vector<1x16xf32> to vector<16xf32>
    %add3A_123 = arith.addf %add3A_117, %get3A_122 : vector<16xf32>
    %get3A_124 = arith.constant 5 : i32
    %get3A_125 = arith.index_cast %get3A_124 : i32 to index
    %get3A_126 = arith.constant 0 : index
    %get3A_127 = tpu.vector_load %arg16[%get3A_125, %get3A_126] {strides = array<i32>} : memref<32x16xf32, #tpu.memory_space<vmem>>, vector<1x16xf32>,
    %get3A_128 = vector.shape_cast %get3A_127 : vector<1x16xf32> to vector<16xf32>
    %add3A_129 = arith.addf %add3A_123, %get3A_128 : vector<16xf32>
    %get3A_130 = arith.constant 6 : i32
    %get3A_131 = arith.index_cast %get3A_130 : i32 to index
    %get3A_132 = arith.constant 0 : index
    %get3A_133 = tpu.vector_load %arg16[%get3A_131, %get3A_132] {strides = array<i32>} : memref<32x16xf32, #tpu.memory_space<vmem>>, vector<1x16xf32>,
    %get3A_134 = vector.shape_cast %get3A_133 : vector<1x16xf32> to vector<16xf32>
    %add3A_135 = arith.addf %add3A_129, %get3A_134 : vector<16xf32>
    %get3A_136 = arith.constant 7 : i32
    %get3A_137 = arith.index_cast %get3A_136 : i32 to index
    %get3A_138 = arith.constant 0 : index
    %get3A_139 = tpu.vector_load %arg16[%get3A_137, %get3A_138] {strides = array<i32>} : memref<32x16xf32, #tpu.memory_space<vmem>>, vector<1x16xf32>,
    %get3A_140 = vector.shape_cast %get3A_139 : vector<1x16xf32> to vector<16xf32>
    %add3A_141 = arith.addf %add3A_135, %get3A_140 : vector<16xf32>
    %get3A_142 = arith.constant 8 : i32
    %get3A_143 = arith.index_cast %get3A_142 : i32 to index
    %get3A_144 = arith.constant 0 : index
    %get3A_145 = tpu.vector_load %arg16[%get3A_143, %get3A_144] {strides = array<i32>} : memref<32x16xf32, #tpu.memory_space<vmem>>, vector<1x16xf32>,
    %get3A_146 = vector.shape_cast %get3A_145 : vector<1x16xf32> to vector<16xf32>
    %add3A_147 = arith.addf %add3A_141, %get3A_146 : vector<16xf32>
    %get3A_148 = arith.constant 9 : i32
    %get3A_149 = arith.index_cast %get3A_148 : i32 to index
    %get3A_150 = arith.constant 0 : index
    %get3A_151 = tpu.vector_load %arg16[%get3A_149, %get3A_150] {strides = array<i32>} : memref<32x16xf32, #tpu.memory_space<vmem>>, vector<1x16xf32>,
    %get3A_152 = vector.shape_cast %get3A_151 : vector<1x16xf32> to vector<16xf32>
    %add3A_153 = arith.addf %add3A_147, %get3A_152 : vector<16xf32>
    %get3A_154 = arith.constant 10 : i32
    %get3A_155 = arith.index_cast %get3A_154 : i32 to index
    %get3A_156 = arith.constant 0 : index
    %get3A_157 = tpu.vector_load %arg16[%get3A_155, %get3A_156] {strides = array<i32>} : memref<32x16xf32, #tpu.memory_space<vmem>>, vector<1x16xf32>,
    %get3A_158 = vector.shape_cast %get3A_157 : vector<1x16xf32> to vector<16xf32>
    %add3A_159 = arith.addf %add3A_153, %get3A_158 : vector<16xf32>
    %get3A_160 = arith.constant 11 : i32
    %get3A_161 = arith.index_cast %get3A_160 : i32 to index
    %get3A_162 = arith.constant 0 : index
    %get3A_163 = tpu.vector_load %arg16[%get3A_161, %get3A_162] {strides = array<i32>} : memref<32x16xf32, #tpu.memory_space<vmem>>, vector<1x16xf32>,
    %get3A_164 = vector.shape_cast %get3A_163 : vector<1x16xf32> to vector<16xf32>
    %add3A_165 = arith.addf %add3A_159, %get3A_164 : vector<16xf32>
    %get3A_166 = arith.constant 12 : i32
    %get3A_167 = arith.index_cast %get3A_166 : i32 to index
    %get3A_168 = arith.constant 0 : index
    %get3A_169 = tpu.vector_load %arg16[%get3A_167, %get3A_168] {strides = array<i32>} : memref<32x16xf32, #tpu.memory_space<vmem>>, vector<1x16xf32>,
    %get3A_170 = vector.shape_cast %get3A_169 : vector<1x16xf32> to vector<16xf32>
    %add3A_171 = arith.addf %add3A_165, %get3A_170 : vector<16xf32>
    %get3A_172 = arith.constant 13 : i32
    %get3A_173 = arith.index_cast %get3A_172 : i32 to index
    %get3A_174 = arith.constant 0 : index
    %get3A_175 = tpu.vector_load %arg16[%get3A_173, %get3A_174] {strides = array<i32>} : memref<32x16xf32, #tpu.memory_space<vmem>>, vector<1x16xf32>,
    %get3A_176 = vector.shape_cast %get3A_175 : vector<1x16xf32> to vector<16xf32>
    %add3A_177 = arith.addf %add3A_171, %get3A_176 : vector<16xf32>
    %get3A_178 = arith.constant 14 : i32
    %get3A_179 = arith.index_cast %get3A_178 : i32 to index
    %get3A_180 = arith.constant 0 : index
    %get3A_181 = tpu.vector_load %arg16[%get3A_179, %get3A_180] {strides = array<i32>} : memref<32x16xf32, #tpu.memory_space<vmem>>, vector<1x16xf32>,
    %get3A_182 = vector.shape_cast %get3A_181 : vector<1x16xf32> to vector<16xf32>
    %add3A_183 = arith.addf %add3A_177, %get3A_182 : vector<16xf32>
    %get3A_184 = arith.constant 15 : i32
    %get3A_185 = arith.index_cast %get3A_184 : i32 to index
    %get3A_186 = arith.constant 0 : index
    %get3A_187 = tpu.vector_load %arg16[%get3A_185, %get3A_186] {strides = array<i32>} : memref<32x16xf32, #tpu.memory_space<vmem>>, vector<1x16xf32>,
    %get3A_188 = vector.shape_cast %get3A_187 : vector<1x16xf32> to vector<16xf32>
    %add3A_189 = arith.addf %add3A_183, %get3A_188 : vector<16xf32>
    %get3A_190 = arith.constant 16 : i32
    %get3A_191 = arith.index_cast %get3A_190 : i32 to index
    %get3A_192 = arith.constant 0 : index
    %get3A_193 = tpu.vector_load %arg16[%get3A_191, %get3A_192] {strides = array<i32>} : memref<32x16xf32, #tpu.memory_space<vmem>>, vector<1x16xf32>,
    %get3A_194 = vector.shape_cast %get3A_193 : vector<1x16xf32> to vector<16xf32>
    %add3A_195 = arith.addf %add3A_189, %get3A_194 : vector<16xf32>
    %get3A_196 = arith.constant 17 : i32
    %get3A_197 = arith.index_cast %get3A_196 : i32 to index
    %get3A_198 = arith.constant 0 : index
    %get3A_199 = tpu.vector_load %arg16[%get3A_197, %get3A_198] {strides = array<i32>} : memref<32x16xf32, #tpu.memory_space<vmem>>, vector<1x16xf32>,
    %get3A_200 = vector.shape_cast %get3A_199 : vector<1x16xf32> to vector<16xf32>
    %add3A_201 = arith.addf %add3A_195, %get3A_200 : vector<16xf32>
    %get3A_202 = arith.constant 18 : i32
    %get3A_203 = arith.index_cast %get3A_202 : i32 to index
    %get3A_204 = arith.constant 0 : index
    %get3A_205 = tpu.vector_load %arg16[%get3A_203, %get3A_204] {strides = array<i32>} : memref<32x16xf32, #tpu.memory_space<vmem>>, vector<1x16xf32>,
    %get3A_206 = vector.shape_cast %get3A_205 : vector<1x16xf32> to vector<16xf32>
    %add3A_207 = arith.addf %add3A_201, %get3A_206 : vector<16xf32>
    %get3A_208 = arith.constant 19 : i32
    %get3A_209 = arith.index_cast %get3A_208 : i32 to index
    %get3A_210 = arith.constant 0 : index
    %get3A_211 = tpu.vector_load %arg16[%get3A_209, %get3A_210] {strides = array<i32>} : memref<32x16xf32, #tpu.memory_space<vmem>>, vector<1x16xf32>,
    %get3A_212 = vector.shape_cast %get3A_211 : vector<1x16xf32> to vector<16xf32>
    %add3A_213 = arith.addf %add3A_207, %get3A_212 : vector<16xf32>
    %get3A_214 = arith.constant 20 : i32
    %get3A_215 = arith.index_cast %get3A_214 : i32 to index
    %get3A_216 = arith.constant 0 : index
    %get3A_217 = tpu.vector_load %arg16[%get3A_215, %get3A_216] {strides = array<i32>} : memref<32x16xf32, #tpu.memory_space<vmem>>, vector<1x16xf32>,
    %get3A_218 = vector.shape_cast %get3A_217 : vector<1x16xf32> to vector<16xf32>
    %add3A_219 = arith.addf %add3A_213, %get3A_218 : vector<16xf32>
    %get3A_220 = arith.constant 21 : i32
    %get3A_221 = arith.index_cast %get3A_220 : i32 to index
    %get3A_222 = arith.constant 0 : index
    %get3A_223 = tpu.vector_load %arg16[%get3A_221, %get3A_222] {strides = array<i32>} : memref<32x16xf32, #tpu.memory_space<vmem>>, vector<1x16xf32>,
    %get3A_224 = vector.shape_cast %get3A_223 : vector<1x16xf32> to vector<16xf32>
    %add3A_225 = arith.addf %add3A_219, %get3A_224 : vector<16xf32>
    %get3A_226 = arith.constant 22 : i32
    %get3A_227 = arith.index_cast %get3A_226 : i32 to index
    %get3A_228 = arith.constant 0 : index
    %get3A_229 = tpu.vector_load %arg16[%get3A_227, %get3A_228] {strides = array<i32>} : memref<32x16xf32, #tpu.memory_space<vmem>>, vector<1x16xf32>,
    %get3A_230 = vector.shape_cast %get3A_229 : vector<1x16xf32> to vector<16xf32>
    %add3A_231 = arith.addf %add3A_225, %get3A_230 : vector<16xf32>
    %get3A_232 = arith.constant 23 : i32
    %get3A_233 = arith.index_cast %get3A_232 : i32 to index
    %get3A_234 = arith.constant 0 : index
    %get3A_235 = tpu.vector_load %arg16[%get3A_233, %get3A_234] {strides = array<i32>} : memref<32x16xf32, #tpu.memory_space<vmem>>, vector<1x16xf32>,
    %get3A_236 = vector.shape_cast %get3A_235 : vector<1x16xf32> to vector<16xf32>
    %add3A_237 = arith.addf %add3A_231, %get3A_236 : vector<16xf32>
    %get3A_238 = arith.constant 24 : i32
    %get3A_239 = arith.index_cast %get3A_238 : i32 to index
    %get3A_240 = arith.constant 0 : index
    %get3A_241 = tpu.vector_load %arg16[%get3A_239, %get3A_240] {strides = array<i32>} : memref<32x16xf32, #tpu.memory_space<vmem>>, vector<1x16xf32>,
    %get3A_242 = vector.shape_cast %get3A_241 : vector<1x16xf32> to vector<16xf32>
    %add3A_243 = arith.addf %add3A_237, %get3A_242 : vector<16xf32>
    %get3A_244 = arith.constant 25 : i32
    %get3A_245 = arith.index_cast %get3A_244 : i32 to index
    %get3A_246 = arith.constant 0 : index
    %get3A_247 = tpu.vector_load %arg16[%get3A_245, %get3A_246] {strides = array<i32>} : memref<32x16xf32, #tpu.memory_space<vmem>>, vector<1x16xf32>,
    %get3A_248 = vector.shape_cast %get3A_247 : vector<1x16xf32> to vector<16xf32>
    %add3A_249 = arith.addf %add3A_243, %get3A_248 : vector<16xf32>
    %get3A_250 = arith.constant 26 : i32
    %get3A_251 = arith.index_cast %get3A_250 : i32 to index
    %get3A_252 = arith.constant 0 : index
    %get3A_253 = tpu.vector_load %arg16[%get3A_251, %get3A_252] {strides = array<i32>} : memref<32x16xf32, #tpu.memory_space<vmem>>, vector<1x16xf32>,
    %get3A_254 = vector.shape_cast %get3A_253 : vector<1x16xf32> to vector<16xf32>
    %add3A_255 = arith.addf %add3A_249, %get3A_254 : vector<16xf32>
    %get3A_256 = arith.constant 27 : i32
    %get3A_257 = arith.index_cast %get3A_256 : i32 to index
    %get3A_258 = arith.constant 0 : index
    %get3A_259 = tpu.vector_load %arg16[%get3A_257, %get3A_258] {strides = array<i32>} : memref<32x16xf32, #tpu.memory_space<vmem>>, vector<1x16xf32>,
    %get3A_260 = vector.shape_cast %get3A_259 : vector<1x16xf32> to vector<16xf32>
    %add3A_261 = arith.addf %add3A_255, %get3A_260 : vector<16xf32>
    %get3A_262 = arith.constant 28 : i32
    %get3A_263 = arith.index_cast %get3A_262 : i32 to index
    %get3A_264 = arith.constant 0 : index
    %get3A_265 = tpu.vector_load %arg16[%get3A_263, %get3A_264] {strides = array<i32>} : memref<32x16xf32, #tpu.memory_space<vmem>>, vector<1x16xf32>,
    %get3A_266 = vector.shape_cast %get3A_265 : vector<1x16xf32> to vector<16xf32>
    %add3A_267 = arith.addf %add3A_261, %get3A_266 : vector<16xf32>
    %get3A_268 = arith.constant 29 : i32
    %get3A_269 = arith.index_cast %get3A_268 : i32 to index
    %get3A_270 = arith.constant 0 : index
    %get3A_271 = tpu.vector_load %arg16[%get3A_269, %get3A_270] {strides = array<i32>} : memref<32x16xf32, #tpu.memory_space<vmem>>, vector<1x16xf32>,
    %get3A_272 = vector.shape_cast %get3A_271 : vector<1x16xf32> to vector<16xf32>
    %add3A_273 = arith.addf %add3A_267, %get3A_272 : vector<16xf32>
    %get3A_274 = arith.constant 30 : i32
    %get3A_275 = arith.index_cast %get3A_274 : i32 to index
    %get3A_276 = arith.constant 0 : index
    %get3A_277 = tpu.vector_load %arg16[%get3A_275, %get3A_276] {strides = array<i32>} : memref<32x16xf32, #tpu.memory_space<vmem>>, vector<1x16xf32>,
    %get3A_278 = vector.shape_cast %get3A_277 : vector<1x16xf32> to vector<16xf32>
    %add3A_279 = arith.addf %add3A_273, %get3A_278 : vector<16xf32>
    %get3A_280 = arith.constant 31 : i32
    %get3A_281 = arith.index_cast %get3A_280 : i32 to index
    %get3A_282 = arith.constant 0 : index
    %get3A_283 = tpu.vector_load %arg16[%get3A_281, %get3A_282] {strides = array<i32>} : memref<32x16xf32, #tpu.memory_space<vmem>>, vector<1x16xf32>,
    %get3A_284 = vector.shape_cast %get3A_283 : vector<1x16xf32> to vector<16xf32>
    %add3A_285 = arith.addf %add3A_279, %get3A_284 : vector<16xf32>
    %slice3A = vector.extract_strided_slice %add3A_285 {offsets = [0], sizes = [1], strides = [1]} : vector<16xf32> to vector<1xf32>
    %squeeze3A = vector.extract %slice3A[0] : f32 from vector<1xf32>
    %slice3A_286 = vector.extract_strided_slice %add3A_285 {offsets = [1], sizes = [1], strides = [1]} : vector<16xf32> to vector<1xf32>
    %squeeze3A_287 = vector.extract %slice3A_286[0] : f32 from vector<1xf32>
    %add3A_288 = arith.addf %squeeze3A, %squeeze3A_287 : f32
    %slice3A_289 = vector.extract_strided_slice %add3A_285 {offsets = [2], sizes = [1], strides = [1]} : vector<16xf32> to vector<1xf32>
    %squeeze3A_290 = vector.extract %slice3A_289[0] : f32 from vector<1xf32>
    %add3A_291 = arith.addf %add3A_288, %squeeze3A_290 : f32
    %slice3A_292 = vector.extract_strided_slice %add3A_285 {offsets = [3], sizes = [1], strides = [1]} : vector<16xf32> to vector<1xf32>
    %squeeze3A_293 = vector.extract %slice3A_292[0] : f32 from vector<1xf32>
    %add3A_294 = arith.addf %add3A_291, %squeeze3A_293 : f32
    %slice3A_295 = vector.extract_strided_slice %add3A_285 {offsets = [4], sizes = [1], strides = [1]} : vector<16xf32> to vector<1xf32>
    %squeeze3A_296 = vector.extract %slice3A_295[0] : f32 from vector<1xf32>
    %add3A_297 = arith.addf %add3A_294, %squeeze3A_296 : f32
    %slice3A_298 = vector.extract_strided_slice %add3A_285 {offsets = [5], sizes = [1], strides = [1]} : vector<16xf32> to vector<1xf32>
    %squeeze3A_299 = vector.extract %slice3A_298[0] : f32 from vector<1xf32>
    %add3A_300 = arith.addf %add3A_297, %squeeze3A_299 : f32
    %slice3A_301 = vector.extract_strided_slice %add3A_285 {offsets = [6], sizes = [1], strides = [1]} : vector<16xf32> to vector<1xf32>
    %squeeze3A_302 = vector.extract %slice3A_301[0] : f32 from vector<1xf32>
    %add3A_303 = arith.addf %add3A_300, %squeeze3A_302 : f32
    %slice3A_304 = vector.extract_strided_slice %add3A_285 {offsets = [7], sizes = [1], strides = [1]} : vector<16xf32> to vector<1xf32>
    %squeeze3A_305 = vector.extract %slice3A_304[0] : f32 from vector<1xf32>
    %add3A_306 = arith.addf %add3A_303, %squeeze3A_305 : f32
    %slice3A_307 = vector.extract_strided_slice %add3A_285 {offsets = [8], sizes = [1], strides = [1]} : vector<16xf32> to vector<1xf32>
    %squeeze3A_308 = vector.extract %slice3A_307[0] : f32 from vector<1xf32>
    %add3A_309 = arith.addf %add3A_306, %squeeze3A_308 : f32
    %slice3A_310 = vector.extract_strided_slice %add3A_285 {offsets = [9], sizes = [1], strides = [1]} : vector<16xf32> to vector<1xf32>
    %squeeze3A_311 = vector.extract %slice3A_310[0] : f32 from vector<1xf32>
    %add3A_312 = arith.addf %add3A_309, %squeeze3A_311 : f32
    %slice3A_313 = vector.extract_strided_slice %add3A_285 {offsets = [10], sizes = [1], strides = [1]} : vector<16xf32> to vector<1xf32>
    %squeeze3A_314 = vector.extract %slice3A_313[0] : f32 from vector<1xf32>
    %add3A_315 = arith.addf %add3A_312, %squeeze3A_314 : f32
    %slice3A_316 = vector.extract_strided_slice %add3A_285 {offsets = [11], sizes = [1], strides = [1]} : vector<16xf32> to vector<1xf32>
    %squeeze3A_317 = vector.extract %slice3A_316[0] : f32 from vector<1xf32>
    %add3A_318 = arith.addf %add3A_315, %squeeze3A_317 : f32
    %slice3A_319 = vector.extract_strided_slice %add3A_285 {offsets = [12], sizes = [1], strides = [1]} : vector<16xf32> to vector<1xf32>
    %squeeze3A_320 = vector.extract %slice3A_319[0] : f32 from vector<1xf32>
    %add3A_321 = arith.addf %add3A_318, %squeeze3A_320 : f32
    %slice3A_322 = vector.extract_strided_slice %add3A_285 {offsets = [13], sizes = [1], strides = [1]} : vector<16xf32> to vector<1xf32>
    %squeeze3A_323 = vector.extract %slice3A_322[0] : f32 from vector<1xf32>
    %add3A_324 = arith.addf %add3A_321, %squeeze3A_323 : f32
    %slice3A_325 = vector.extract_strided_slice %add3A_285 {offsets = [14], sizes = [1], strides = [1]} : vector<16xf32> to vector<1xf32>
    %squeeze3A_326 = vector.extract %slice3A_325[0] : f32 from vector<1xf32>
    %add3A_327 = arith.addf %add3A_324, %squeeze3A_326 : f32
    %slice3A_328 = vector.extract_strided_slice %add3A_285 {offsets = [15], sizes = [1], strides = [1]} : vector<16xf32> to vector<1xf32>
    %squeeze3A_329 = vector.extract %slice3A_328[0] : f32 from vector<1xf32>
    %add3A_330 = arith.addf %add3A_327, %squeeze3A_329 : f32
    %broadcast_in_dim3A = vector.broadcast %add3A_330 : f32 to vector<16xf32>
    %div3A = arith.constant 1.000000e+00 : f32
    %div3A_331 = vector.broadcast %div3A : f32 to vector<16xf32>
    %div3A_332 = arith.divf %div3A_331, %broadcast_in_dim3A : vector<16xf32>
    %dma_wait3A = arith.constant 0 : i32
    %dma_wait3A_333 = arith.constant 0 : i32
    %dma_wait3A_334 = tpu.memref_slice %arg12[%dma_wait3A_333] : memref<512xf32, #tpu.memory_space<vmem>> -> memref<128xf32, #tpu.memory_space<vmem>>
    %dma_wait3A_335 = arith.constant 0 : i32
    %dma_wait3A_336 = tpu.memref_slice %arg9[%dma_wait3A, %dma_wait3A_335] : memref<4x128xi32, #tpu.memory_space<vmem>> -> memref<1x128xi32, #tpu.memory_space<vmem>>
    %dma_wait3A_337 = tpu.memref_squeeze %dma_wait3A_336 : memref<1x128xi32, #tpu.memory_space<vmem>> -> memref<128xi32, #tpu.memory_space<vmem>>
    %dma_wait3A_338 = arith.constant 0 : i32
    %dma_wait3A_339 = tpu.memref_slice %arg5[%dma_wait3A_338] : memref<1000448xf32, #tpu.memory_space<hbm>> -> memref<1000448xf32, #tpu.memory_space<hbm>>
    tpu.wait_indirect_dma semaphore(%arg17 : memref<!tpu.dma_semaphore, #tpu.memory_space<semaphore_mem>>) src(%dma_wait3A_339 : memref<1000448xf32, #tpu.memory_space<hbm>>) dst(%dma_wait3A_334 : memref<128xf32, #tpu.memory_space<vmem>>)
    %dma_wait3A_340 = arith.constant 0 : i32
    %dma_wait3A_341 = arith.constant 0 : i32
    %dma_wait3A_342 = tpu.memref_slice %arg13[%dma_wait3A_341] : memref<512xf32, #tpu.memory_space<vmem>> -> memref<128xf32, #tpu.memory_space<vmem>>
    %dma_wait3A_343 = arith.constant 0 : i32
    %dma_wait3A_344 = tpu.memref_slice %arg10[%dma_wait3A_340, %dma_wait3A_343] : memref<4x128xi32, #tpu.memory_space<vmem>> -> memref<1x128xi32, #tpu.memory_space<vmem>>
    %dma_wait3A_345 = tpu.memref_squeeze %dma_wait3A_344 : memref<1x128xi32, #tpu.memory_space<vmem>> -> memref<128xi32, #tpu.memory_space<vmem>>
    %dma_wait3A_346 = arith.constant 0 : i32
    %dma_wait3A_347 = tpu.memref_slice %arg5[%dma_wait3A_346] : memref<1000448xf32, #tpu.memory_space<hbm>> -> memref<1000448xf32, #tpu.memory_space<hbm>>
    tpu.wait_indirect_dma semaphore(%arg18 : memref<!tpu.dma_semaphore, #tpu.memory_space<semaphore_mem>>) src(%dma_wait3A_347 : memref<1000448xf32, #tpu.memory_space<hbm>>) dst(%dma_wait3A_342 : memref<128xf32, #tpu.memory_space<vmem>>)
    %dma_wait3A_348 = arith.constant 0 : i32
    %dma_wait3A_349 = arith.constant 0 : i32
    %dma_wait3A_350 = tpu.memref_slice %arg14[%dma_wait3A_349] : memref<512xf32, #tpu.memory_space<vmem>> -> memref<128xf32, #tpu.memory_space<vmem>>
    %dma_wait3A_351 = arith.constant 0 : i32
    %dma_wait3A_352 = tpu.memref_slice %arg11[%dma_wait3A_348, %dma_wait3A_351] : memref<4x128xi32, #tpu.memory_space<vmem>> -> memref<1x128xi32, #tpu.memory_space<vmem>>
    %dma_wait3A_353 = tpu.memref_squeeze %dma_wait3A_352 : memref<1x128xi32, #tpu.memory_space<vmem>> -> memref<128xi32, #tpu.memory_space<vmem>>
    %dma_wait3A_354 = arith.constant 0 : i32
    %dma_wait3A_355 = tpu.memref_slice %arg6[%dma_wait3A_354] : memref<1000448xf32, #tpu.memory_space<hbm>> -> memref<1000448xf32, #tpu.memory_space<hbm>>
    tpu.wait_indirect_dma semaphore(%arg19 : memref<!tpu.dma_semaphore, #tpu.memory_space<semaphore_mem>>) src(%dma_wait3A_355 : memref<1000448xf32, #tpu.memory_space<hbm>>) dst(%dma_wait3A_350 : memref<128xf32, #tpu.memory_space<vmem>>)
    %dma_wait3A_356 = arith.constant 1 : i32
    %dma_wait3A_357 = arith.constant 128 : i32
    %dma_wait3A_358 = tpu.memref_slice %arg12[%dma_wait3A_357] : memref<512xf32, #tpu.memory_space<vmem>> -> memref<128xf32, #tpu.memory_space<vmem>>
    %dma_wait3A_359 = arith.constant 0 : i32
    %dma_wait3A_360 = tpu.memref_slice %arg9[%dma_wait3A_356, %dma_wait3A_359] : memref<4x128xi32, #tpu.memory_space<vmem>> -> memref<1x128xi32, #tpu.memory_space<vmem>>
    %dma_wait3A_361 = tpu.memref_squeeze %dma_wait3A_360 : memref<1x128xi32, #tpu.memory_space<vmem>> -> memref<128xi32, #tpu.memory_space<vmem>>
    %dma_wait3A_362 = arith.constant 0 : i32
    %dma_wait3A_363 = tpu.memref_slice %arg5[%dma_wait3A_362] : memref<1000448xf32, #tpu.memory_space<hbm>> -> memref<1000448xf32, #tpu.memory_space<hbm>>
    tpu.wait_indirect_dma semaphore(%arg17 : memref<!tpu.dma_semaphore, #tpu.memory_space<semaphore_mem>>) src(%dma_wait3A_363 : memref<1000448xf32, #tpu.memory_space<hbm>>) dst(%dma_wait3A_358 : memref<128xf32, #tpu.memory_space<vmem>>)
    %dma_wait3A_364 = arith.constant 1 : i32
    %dma_wait3A_365 = arith.constant 128 : i32
    %dma_wait3A_366 = tpu.memref_slice %arg13[%dma_wait3A_365] : memref<512xf32, #tpu.memory_space<vmem>> -> memref<128xf32, #tpu.memory_space<vmem>>
    %dma_wait3A_367 = arith.constant 0 : i32
    %dma_wait3A_368 = tpu.memref_slice %arg10[%dma_wait3A_364, %dma_wait3A_367] : memref<4x128xi32, #tpu.memory_space<vmem>> -> memref<1x128xi32, #tpu.memory_space<vmem>>
    %dma_wait3A_369 = tpu.memref_squeeze %dma_wait3A_368 : memref<1x128xi32, #tpu.memory_space<vmem>> -> memref<128xi32, #tpu.memory_space<vmem>>
    %dma_wait3A_370 = arith.constant 0 : i32
    %dma_wait3A_371 = tpu.memref_slice %arg5[%dma_wait3A_370] : memref<1000448xf32, #tpu.memory_space<hbm>> -> memref<1000448xf32, #tpu.memory_space<hbm>>
    tpu.wait_indirect_dma semaphore(%arg18 : memref<!tpu.dma_semaphore, #tpu.memory_space<semaphore_mem>>) src(%dma_wait3A_371 : memref<1000448xf32, #tpu.memory_space<hbm>>) dst(%dma_wait3A_366 : memref<128xf32, #tpu.memory_space<vmem>>)
    %dma_wait3A_372 = arith.constant 1 : i32
    %dma_wait3A_373 = arith.constant 128 : i32
    %dma_wait3A_374 = tpu.memref_slice %arg14[%dma_wait3A_373] : memref<512xf32, #tpu.memory_space<vmem>> -> memref<128xf32, #tpu.memory_space<vmem>>
    %dma_wait3A_375 = arith.constant 0 : i32
    %dma_wait3A_376 = tpu.memref_slice %arg11[%dma_wait3A_372, %dma_wait3A_375] : memref<4x128xi32, #tpu.memory_space<vmem>> -> memref<1x128xi32, #tpu.memory_space<vmem>>
    %dma_wait3A_377 = tpu.memref_squeeze %dma_wait3A_376 : memref<1x128xi32, #tpu.memory_space<vmem>> -> memref<128xi32, #tpu.memory_space<vmem>>
    %dma_wait3A_378 = arith.constant 0 : i32
    %dma_wait3A_379 = tpu.memref_slice %arg6[%dma_wait3A_378] : memref<1000448xf32, #tpu.memory_space<hbm>> -> memref<1000448xf32, #tpu.memory_space<hbm>>
    tpu.wait_indirect_dma semaphore(%arg19 : memref<!tpu.dma_semaphore, #tpu.memory_space<semaphore_mem>>) src(%dma_wait3A_379 : memref<1000448xf32, #tpu.memory_space<hbm>>) dst(%dma_wait3A_374 : memref<128xf32, #tpu.memory_space<vmem>>)
    %dma_wait3A_380 = arith.constant 2 : i32
    %dma_wait3A_381 = arith.constant 256 : i32
    %dma_wait3A_382 = tpu.memref_slice %arg12[%dma_wait3A_381] : memref<512xf32, #tpu.memory_space<vmem>> -> memref<128xf32, #tpu.memory_space<vmem>>
    %dma_wait3A_383 = arith.constant 0 : i32
    %dma_wait3A_384 = tpu.memref_slice %arg9[%dma_wait3A_380, %dma_wait3A_383] : memref<4x128xi32, #tpu.memory_space<vmem>> -> memref<1x128xi32, #tpu.memory_space<vmem>>
    %dma_wait3A_385 = tpu.memref_squeeze %dma_wait3A_384 : memref<1x128xi32, #tpu.memory_space<vmem>> -> memref<128xi32, #tpu.memory_space<vmem>>
    %dma_wait3A_386 = arith.constant 0 : i32
    %dma_wait3A_387 = tpu.memref_slice %arg5[%dma_wait3A_386] : memref<1000448xf32, #tpu.memory_space<hbm>> -> memref<1000448xf32, #tpu.memory_space<hbm>>
    tpu.wait_indirect_dma semaphore(%arg17 : memref<!tpu.dma_semaphore, #tpu.memory_space<semaphore_mem>>) src(%dma_wait3A_387 : memref<1000448xf32, #tpu.memory_space<hbm>>) dst(%dma_wait3A_382 : memref<128xf32, #tpu.memory_space<vmem>>)
    %dma_wait3A_388 = arith.constant 2 : i32
    %dma_wait3A_389 = arith.constant 256 : i32
    %dma_wait3A_390 = tpu.memref_slice %arg13[%dma_wait3A_389] : memref<512xf32, #tpu.memory_space<vmem>> -> memref<128xf32, #tpu.memory_space<vmem>>
    %dma_wait3A_391 = arith.constant 0 : i32
    %dma_wait3A_392 = tpu.memref_slice %arg10[%dma_wait3A_388, %dma_wait3A_391] : memref<4x128xi32, #tpu.memory_space<vmem>> -> memref<1x128xi32, #tpu.memory_space<vmem>>
    %dma_wait3A_393 = tpu.memref_squeeze %dma_wait3A_392 : memref<1x128xi32, #tpu.memory_space<vmem>> -> memref<128xi32, #tpu.memory_space<vmem>>
    %dma_wait3A_394 = arith.constant 0 : i32
    %dma_wait3A_395 = tpu.memref_slice %arg5[%dma_wait3A_394] : memref<1000448xf32, #tpu.memory_space<hbm>> -> memref<1000448xf32, #tpu.memory_space<hbm>>
    tpu.wait_indirect_dma semaphore(%arg18 : memref<!tpu.dma_semaphore, #tpu.memory_space<semaphore_mem>>) src(%dma_wait3A_395 : memref<1000448xf32, #tpu.memory_space<hbm>>) dst(%dma_wait3A_390 : memref<128xf32, #tpu.memory_space<vmem>>)
    %dma_wait3A_396 = arith.constant 2 : i32
    %dma_wait3A_397 = arith.constant 256 : i32
    %dma_wait3A_398 = tpu.memref_slice %arg14[%dma_wait3A_397] : memref<512xf32, #tpu.memory_space<vmem>> -> memref<128xf32, #tpu.memory_space<vmem>>
    %dma_wait3A_399 = arith.constant 0 : i32
    %dma_wait3A_400 = tpu.memref_slice %arg11[%dma_wait3A_396, %dma_wait3A_399] : memref<4x128xi32, #tpu.memory_space<vmem>> -> memref<1x128xi32, #tpu.memory_space<vmem>>
    %dma_wait3A_401 = tpu.memref_squeeze %dma_wait3A_400 : memref<1x128xi32, #tpu.memory_space<vmem>> -> memref<128xi32, #tpu.memory_space<vmem>>
    %dma_wait3A_402 = arith.constant 0 : i32
    %dma_wait3A_403 = tpu.memref_slice %arg6[%dma_wait3A_402] : memref<1000448xf32, #tpu.memory_space<hbm>> -> memref<1000448xf32, #tpu.memory_space<hbm>>
    tpu.wait_indirect_dma semaphore(%arg19 : memref<!tpu.dma_semaphore, #tpu.memory_space<semaphore_mem>>) src(%dma_wait3A_403 : memref<1000448xf32, #tpu.memory_space<hbm>>) dst(%dma_wait3A_398 : memref<128xf32, #tpu.memory_space<vmem>>)
    %dma_wait3A_404 = arith.constant 3 : i32
    %dma_wait3A_405 = arith.constant 384 : i32
    %dma_wait3A_406 = tpu.memref_slice %arg12[%dma_wait3A_405] : memref<512xf32, #tpu.memory_space<vmem>> -> memref<128xf32, #tpu.memory_space<vmem>>
    %dma_wait3A_407 = arith.constant 0 : i32
    %dma_wait3A_408 = tpu.memref_slice %arg9[%dma_wait3A_404, %dma_wait3A_407] : memref<4x128xi32, #tpu.memory_space<vmem>> -> memref<1x128xi32, #tpu.memory_space<vmem>>
    %dma_wait3A_409 = tpu.memref_squeeze %dma_wait3A_408 : memref<1x128xi32, #tpu.memory_space<vmem>> -> memref<128xi32, #tpu.memory_space<vmem>>
    %dma_wait3A_410 = arith.constant 0 : i32
    %dma_wait3A_411 = tpu.memref_slice %arg5[%dma_wait3A_410] : memref<1000448xf32, #tpu.memory_space<hbm>> -> memref<1000448xf32, #tpu.memory_space<hbm>>
    tpu.wait_indirect_dma semaphore(%arg17 : memref<!tpu.dma_semaphore, #tpu.memory_space<semaphore_mem>>) src(%dma_wait3A_411 : memref<1000448xf32, #tpu.memory_space<hbm>>) dst(%dma_wait3A_406 : memref<128xf32, #tpu.memory_space<vmem>>)
    %dma_wait3A_412 = arith.constant 3 : i32
    %dma_wait3A_413 = arith.constant 384 : i32
    %dma_wait3A_414 = tpu.memref_slice %arg13[%dma_wait3A_413] : memref<512xf32, #tpu.memory_space<vmem>> -> memref<128xf32, #tpu.memory_space<vmem>>
    %dma_wait3A_415 = arith.constant 0 : i32
    %dma_wait3A_416 = tpu.memref_slice %arg10[%dma_wait3A_412, %dma_wait3A_415] : memref<4x128xi32, #tpu.memory_space<vmem>> -> memref<1x128xi32, #tpu.memory_space<vmem>>
    %dma_wait3A_417 = tpu.memref_squeeze %dma_wait3A_416 : memref<1x128xi32, #tpu.memory_space<vmem>> -> memref<128xi32, #tpu.memory_space<vmem>>
    %dma_wait3A_418 = arith.constant 0 : i32
    %dma_wait3A_419 = tpu.memref_slice %arg5[%dma_wait3A_418] : memref<1000448xf32, #tpu.memory_space<hbm>> -> memref<1000448xf32, #tpu.memory_space<hbm>>
    tpu.wait_indirect_dma semaphore(%arg18 : memref<!tpu.dma_semaphore, #tpu.memory_space<semaphore_mem>>) src(%dma_wait3A_419 : memref<1000448xf32, #tpu.memory_space<hbm>>) dst(%dma_wait3A_414 : memref<128xf32, #tpu.memory_space<vmem>>)
    %dma_wait3A_420 = arith.constant 3 : i32
    %dma_wait3A_421 = arith.constant 384 : i32
    %dma_wait3A_422 = tpu.memref_slice %arg14[%dma_wait3A_421] : memref<512xf32, #tpu.memory_space<vmem>> -> memref<128xf32, #tpu.memory_space<vmem>>
    %dma_wait3A_423 = arith.constant 0 : i32
    %dma_wait3A_424 = tpu.memref_slice %arg11[%dma_wait3A_420, %dma_wait3A_423] : memref<4x128xi32, #tpu.memory_space<vmem>> -> memref<1x128xi32, #tpu.memory_space<vmem>>
    %dma_wait3A_425 = tpu.memref_squeeze %dma_wait3A_424 : memref<1x128xi32, #tpu.memory_space<vmem>> -> memref<128xi32, #tpu.memory_space<vmem>>
    %dma_wait3A_426 = arith.constant 0 : i32
    %dma_wait3A_427 = tpu.memref_slice %arg6[%dma_wait3A_426] : memref<1000448xf32, #tpu.memory_space<hbm>> -> memref<1000448xf32, #tpu.memory_space<hbm>>
    tpu.wait_indirect_dma semaphore(%arg19 : memref<!tpu.dma_semaphore, #tpu.memory_space<semaphore_mem>>) src(%dma_wait3A_427 : memref<1000448xf32, #tpu.memory_space<hbm>>) dst(%dma_wait3A_422 : memref<128xf32, #tpu.memory_space<vmem>>)
    %get3A_428 = arith.constant 0 : index
    %get3A_429 = tpu.vector_load %arg14[%get3A_428] {strides = array<i32>} : memref<512xf32, #tpu.memory_space<vmem>>, vector<16xf32>,
    %get3A_430 = vector.shape_cast %get3A_429 : vector<16xf32> to vector<16xf32>
    %mul3A_431 = arith.mulf %get3A_430, %div3A_332 : vector<16xf32>
    %get3A_432 = arith.constant 0 : index
    %get3A_433 = tpu.vector_load %arg12[%get3A_432] {strides = array<i32>} : memref<512xf32, #tpu.memory_space<vmem>>, vector<16xf32>,
    %get3A_434 = vector.shape_cast %get3A_433 : vector<16xf32> to vector<16xf32>
    %get3A_435 = arith.constant 0 : index
    %get3A_436 = tpu.vector_load %arg13[%get3A_435] {strides = array<i32>} : memref<512xf32, #tpu.memory_space<vmem>>, vector<16xf32>,
    %get3A_437 = vector.shape_cast %get3A_436 : vector<16xf32> to vector<16xf32>
    %sub3A = arith.subf %get3A_434, %get3A_437 : vector<16xf32>
    %mul3A_438 = arith.mulf %mul3A_431, %sub3A : vector<16xf32>
    %swap3A = arith.constant 0 : index
    %swap3A_439 = tpu.vector_load %arg15[%swap3A] {strides = array<i32>} : memref<512xf32, #tpu.memory_space<vmem>>, vector<16xf32>,
    %swap3A_440 = vector.shape_cast %swap3A_439 : vector<16xf32> to vector<16xf32>
    %swap3A_441 = vector.shape_cast %mul3A_438 : vector<16xf32> to vector<16xf32>
    tpu.vector_store %arg15[%swap3A], %swap3A_441 {strides = array<i32>} : memref<512xf32, #tpu.memory_space<vmem>>, vector<16xf32>,
    %get3A_442 = arith.constant 16 : index
    %get3A_443 = tpu.vector_load %arg14[%get3A_442] {strides = array<i32>} : memref<512xf32, #tpu.memory_space<vmem>>, vector<16xf32>,
    %get3A_444 = vector.shape_cast %get3A_443 : vector<16xf32> to vector<16xf32>
    %mul3A_445 = arith.mulf %get3A_444, %div3A_332 : vector<16xf32>
    %get3A_446 = arith.constant 16 : index
    %get3A_447 = tpu.vector_load %arg12[%get3A_446] {strides = array<i32>} : memref<512xf32, #tpu.memory_space<vmem>>, vector<16xf32>,
    %get3A_448 = vector.shape_cast %get3A_447 : vector<16xf32> to vector<16xf32>
    %get3A_449 = arith.constant 16 : index
    %get3A_450 = tpu.vector_load %arg13[%get3A_449] {strides = array<i32>} : memref<512xf32, #tpu.memory_space<vmem>>, vector<16xf32>,
    %get3A_451 = vector.shape_cast %get3A_450 : vector<16xf32> to vector<16xf32>
    %sub3A_452 = arith.subf %get3A_448, %get3A_451 : vector<16xf32>
    %mul3A_453 = arith.mulf %mul3A_445, %sub3A_452 : vector<16xf32>
    %swap3A_454 = arith.constant 16 : index
    %swap3A_455 = tpu.vector_load %arg15[%swap3A_454] {strides = array<i32>} : memref<512xf32, #tpu.memory_space<vmem>>, vector<16xf32>,
    %swap3A_456 = vector.shape_cast %swap3A_455 : vector<16xf32> to vector<16xf32>
    %swap3A_457 = vector.shape_cast %mul3A_453 : vector<16xf32> to vector<16xf32>
    tpu.vector_store %arg15[%swap3A_454], %swap3A_457 {strides = array<i32>} : memref<512xf32, #tpu.memory_space<vmem>>, vector<16xf32>,
    %get3A_458 = arith.constant 32 : index
    %get3A_459 = tpu.vector_load %arg14[%get3A_458] {strides = array<i32>} : memref<512xf32, #tpu.memory_space<vmem>>, vector<16xf32>,
    %get3A_460 = vector.shape_cast %get3A_459 : vector<16xf32> to vector<16xf32>
    %mul3A_461 = arith.mulf %get3A_460, %div3A_332 : vector<16xf32>
    %get3A_462 = arith.constant 32 : index
    %get3A_463 = tpu.vector_load %arg12[%get3A_462] {strides = array<i32>} : memref<512xf32, #tpu.memory_space<vmem>>, vector<16xf32>,
    %get3A_464 = vector.shape_cast %get3A_463 : vector<16xf32> to vector<16xf32>
    %get3A_465 = arith.constant 32 : index
    %get3A_466 = tpu.vector_load %arg13[%get3A_465] {strides = array<i32>} : memref<512xf32, #tpu.memory_space<vmem>>, vector<16xf32>,
    %get3A_467 = vector.shape_cast %get3A_466 : vector<16xf32> to vector<16xf32>
    %sub3A_468 = arith.subf %get3A_464, %get3A_467 : vector<16xf32>
    %mul3A_469 = arith.mulf %mul3A_461, %sub3A_468 : vector<16xf32>
    %swap3A_470 = arith.constant 32 : index
    %swap3A_471 = tpu.vector_load %arg15[%swap3A_470] {strides = array<i32>} : memref<512xf32, #tpu.memory_space<vmem>>, vector<16xf32>,
    %swap3A_472 = vector.shape_cast %swap3A_471 : vector<16xf32> to vector<16xf32>
    %swap3A_473 = vector.shape_cast %mul3A_469 : vector<16xf32> to vector<16xf32>
    tpu.vector_store %arg15[%swap3A_470], %swap3A_473 {strides = array<i32>} : memref<512xf32, #tpu.memory_space<vmem>>, vector<16xf32>,
    %get3A_474 = arith.constant 48 : index
    %get3A_475 = tpu.vector_load %arg14[%get3A_474] {strides = array<i32>} : memref<512xf32, #tpu.memory_space<vmem>>, vector<16xf32>,
    %get3A_476 = vector.shape_cast %get3A_475 : vector<16xf32> to vector<16xf32>
    %mul3A_477 = arith.mulf %get3A_476, %div3A_332 : vector<16xf32>
    %get3A_478 = arith.constant 48 : index
    %get3A_479 = tpu.vector_load %arg12[%get3A_478] {strides = array<i32>} : memref<512xf32, #tpu.memory_space<vmem>>, vector<16xf32>,
    %get3A_480 = vector.shape_cast %get3A_479 : vector<16xf32> to vector<16xf32>
    %get3A_481 = arith.constant 48 : index
    %get3A_482 = tpu.vector_load %arg13[%get3A_481] {strides = array<i32>} : memref<512xf32, #tpu.memory_space<vmem>>, vector<16xf32>,
    %get3A_483 = vector.shape_cast %get3A_482 : vector<16xf32> to vector<16xf32>
    %sub3A_484 = arith.subf %get3A_480, %get3A_483 : vector<16xf32>
    %mul3A_485 = arith.mulf %mul3A_477, %sub3A_484 : vector<16xf32>
    %swap3A_486 = arith.constant 48 : index
    %swap3A_487 = tpu.vector_load %arg15[%swap3A_486] {strides = array<i32>} : memref<512xf32, #tpu.memory_space<vmem>>, vector<16xf32>,
    %swap3A_488 = vector.shape_cast %swap3A_487 : vector<16xf32> to vector<16xf32>
    %swap3A_489 = vector.shape_cast %mul3A_485 : vector<16xf32> to vector<16xf32>
    tpu.vector_store %arg15[%swap3A_486], %swap3A_489 {strides = array<i32>} : memref<512xf32, #tpu.memory_space<vmem>>, vector<16xf32>,
    %get3A_490 = arith.constant 64 : index
    %get3A_491 = tpu.vector_load %arg14[%get3A_490] {strides = array<i32>} : memref<512xf32, #tpu.memory_space<vmem>>, vector<16xf32>,
    %get3A_492 = vector.shape_cast %get3A_491 : vector<16xf32> to vector<16xf32>
    %mul3A_493 = arith.mulf %get3A_492, %div3A_332 : vector<16xf32>
    %get3A_494 = arith.constant 64 : index
    %get3A_495 = tpu.vector_load %arg12[%get3A_494] {strides = array<i32>} : memref<512xf32, #tpu.memory_space<vmem>>, vector<16xf32>,
    %get3A_496 = vector.shape_cast %get3A_495 : vector<16xf32> to vector<16xf32>
    %get3A_497 = arith.constant 64 : index
    %get3A_498 = tpu.vector_load %arg13[%get3A_497] {strides = array<i32>} : memref<512xf32, #tpu.memory_space<vmem>>, vector<16xf32>,
    %get3A_499 = vector.shape_cast %get3A_498 : vector<16xf32> to vector<16xf32>
    %sub3A_500 = arith.subf %get3A_496, %get3A_499 : vector<16xf32>
    %mul3A_501 = arith.mulf %mul3A_493, %sub3A_500 : vector<16xf32>
    %swap3A_502 = arith.constant 64 : index
    %swap3A_503 = tpu.vector_load %arg15[%swap3A_502] {strides = array<i32>} : memref<512xf32, #tpu.memory_space<vmem>>, vector<16xf32>,
    %swap3A_504 = vector.shape_cast %swap3A_503 : vector<16xf32> to vector<16xf32>
    %swap3A_505 = vector.shape_cast %mul3A_501 : vector<16xf32> to vector<16xf32>
    tpu.vector_store %arg15[%swap3A_502], %swap3A_505 {strides = array<i32>} : memref<512xf32, #tpu.memory_space<vmem>>, vector<16xf32>,
    %get3A_506 = arith.constant 80 : index
    %get3A_507 = tpu.vector_load %arg14[%get3A_506] {strides = array<i32>} : memref<512xf32, #tpu.memory_space<vmem>>, vector<16xf32>,
    %get3A_508 = vector.shape_cast %get3A_507 : vector<16xf32> to vector<16xf32>
    %mul3A_509 = arith.mulf %get3A_508, %div3A_332 : vector<16xf32>
    %get3A_510 = arith.constant 80 : index
    %get3A_511 = tpu.vector_load %arg12[%get3A_510] {strides = array<i32>} : memref<512xf32, #tpu.memory_space<vmem>>, vector<16xf32>,
    %get3A_512 = vector.shape_cast %get3A_511 : vector<16xf32> to vector<16xf32>
    %get3A_513 = arith.constant 80 : index
    %get3A_514 = tpu.vector_load %arg13[%get3A_513] {strides = array<i32>} : memref<512xf32, #tpu.memory_space<vmem>>, vector<16xf32>,
    %get3A_515 = vector.shape_cast %get3A_514 : vector<16xf32> to vector<16xf32>
    %sub3A_516 = arith.subf %get3A_512, %get3A_515 : vector<16xf32>
    %mul3A_517 = arith.mulf %mul3A_509, %sub3A_516 : vector<16xf32>
    %swap3A_518 = arith.constant 80 : index
    %swap3A_519 = tpu.vector_load %arg15[%swap3A_518] {strides = array<i32>} : memref<512xf32, #tpu.memory_space<vmem>>, vector<16xf32>,
    %swap3A_520 = vector.shape_cast %swap3A_519 : vector<16xf32> to vector<16xf32>
    %swap3A_521 = vector.shape_cast %mul3A_517 : vector<16xf32> to vector<16xf32>
    tpu.vector_store %arg15[%swap3A_518], %swap3A_521 {strides = array<i32>} : memref<512xf32, #tpu.memory_space<vmem>>, vector<16xf32>,
    %get3A_522 = arith.constant 96 : index
    %get3A_523 = tpu.vector_load %arg14[%get3A_522] {strides = array<i32>} : memref<512xf32, #tpu.memory_space<vmem>>, vector<16xf32>,
    %get3A_524 = vector.shape_cast %get3A_523 : vector<16xf32> to vector<16xf32>
    %mul3A_525 = arith.mulf %get3A_524, %div3A_332 : vector<16xf32>
    %get3A_526 = arith.constant 96 : index
    %get3A_527 = tpu.vector_load %arg12[%get3A_526] {strides = array<i32>} : memref<512xf32, #tpu.memory_space<vmem>>, vector<16xf32>,
    %get3A_528 = vector.shape_cast %get3A_527 : vector<16xf32> to vector<16xf32>
    %get3A_529 = arith.constant 96 : index
    %get3A_530 = tpu.vector_load %arg13[%get3A_529] {strides = array<i32>} : memref<512xf32, #tpu.memory_space<vmem>>, vector<16xf32>,
    %get3A_531 = vector.shape_cast %get3A_530 : vector<16xf32> to vector<16xf32>
    %sub3A_532 = arith.subf %get3A_528, %get3A_531 : vector<16xf32>
    %mul3A_533 = arith.mulf %mul3A_525, %sub3A_532 : vector<16xf32>
    %swap3A_534 = arith.constant 96 : index
    %swap3A_535 = tpu.vector_load %arg15[%swap3A_534] {strides = array<i32>} : memref<512xf32, #tpu.memory_space<vmem>>, vector<16xf32>,
    %swap3A_536 = vector.shape_cast %swap3A_535 : vector<16xf32> to vector<16xf32>
    %swap3A_537 = vector.shape_cast %mul3A_533 : vector<16xf32> to vector<16xf32>
    tpu.vector_store %arg15[%swap3A_534], %swap3A_537 {strides = array<i32>} : memref<512xf32, #tpu.memory_space<vmem>>, vector<16xf32>,
    %get3A_538 = arith.constant 112 : index
    %get3A_539 = tpu.vector_load %arg14[%get3A_538] {strides = array<i32>} : memref<512xf32, #tpu.memory_space<vmem>>, vector<16xf32>,
    %get3A_540 = vector.shape_cast %get3A_539 : vector<16xf32> to vector<16xf32>
    %mul3A_541 = arith.mulf %get3A_540, %div3A_332 : vector<16xf32>
    %get3A_542 = arith.constant 112 : index
    %get3A_543 = tpu.vector_load %arg12[%get3A_542] {strides = array<i32>} : memref<512xf32, #tpu.memory_space<vmem>>, vector<16xf32>,
    %get3A_544 = vector.shape_cast %get3A_543 : vector<16xf32> to vector<16xf32>
    %get3A_545 = arith.constant 112 : index
    %get3A_546 = tpu.vector_load %arg13[%get3A_545] {strides = array<i32>} : memref<512xf32, #tpu.memory_space<vmem>>, vector<16xf32>,
    %get3A_547 = vector.shape_cast %get3A_546 : vector<16xf32> to vector<16xf32>
    %sub3A_548 = arith.subf %get3A_544, %get3A_547 : vector<16xf32>
    %mul3A_549 = arith.mulf %mul3A_541, %sub3A_548 : vector<16xf32>
    %swap3A_550 = arith.constant 112 : index
    %swap3A_551 = tpu.vector_load %arg15[%swap3A_550] {strides = array<i32>} : memref<512xf32, #tpu.memory_space<vmem>>, vector<16xf32>,
    %swap3A_552 = vector.shape_cast %swap3A_551 : vector<16xf32> to vector<16xf32>
    %swap3A_553 = vector.shape_cast %mul3A_549 : vector<16xf32> to vector<16xf32>
    tpu.vector_store %arg15[%swap3A_550], %swap3A_553 {strides = array<i32>} : memref<512xf32, #tpu.memory_space<vmem>>, vector<16xf32>,
    %get3A_554 = arith.constant 128 : index
    %get3A_555 = tpu.vector_load %arg14[%get3A_554] {strides = array<i32>} : memref<512xf32, #tpu.memory_space<vmem>>, vector<16xf32>,
    %get3A_556 = vector.shape_cast %get3A_555 : vector<16xf32> to vector<16xf32>
    %mul3A_557 = arith.mulf %get3A_556, %div3A_332 : vector<16xf32>
    %get3A_558 = arith.constant 128 : index
    %get3A_559 = tpu.vector_load %arg12[%get3A_558] {strides = array<i32>} : memref<512xf32, #tpu.memory_space<vmem>>, vector<16xf32>,
    %get3A_560 = vector.shape_cast %get3A_559 : vector<16xf32> to vector<16xf32>
    %get3A_561 = arith.constant 128 : index
    %get3A_562 = tpu.vector_load %arg13[%get3A_561] {strides = array<i32>} : memref<512xf32, #tpu.memory_space<vmem>>, vector<16xf32>,
    %get3A_563 = vector.shape_cast %get3A_562 : vector<16xf32> to vector<16xf32>
    %sub3A_564 = arith.subf %get3A_560, %get3A_563 : vector<16xf32>
    %mul3A_565 = arith.mulf %mul3A_557, %sub3A_564 : vector<16xf32>
    %swap3A_566 = arith.constant 128 : index
    %swap3A_567 = tpu.vector_load %arg15[%swap3A_566] {strides = array<i32>} : memref<512xf32, #tpu.memory_space<vmem>>, vector<16xf32>,
    %swap3A_568 = vector.shape_cast %swap3A_567 : vector<16xf32> to vector<16xf32>
    %swap3A_569 = vector.shape_cast %mul3A_565 : vector<16xf32> to vector<16xf32>
    tpu.vector_store %arg15[%swap3A_566], %swap3A_569 {strides = array<i32>} : memref<512xf32, #tpu.memory_space<vmem>>, vector<16xf32>,
    %get3A_570 = arith.constant 144 : index
    %get3A_571 = tpu.vector_load %arg14[%get3A_570] {strides = array<i32>} : memref<512xf32, #tpu.memory_space<vmem>>, vector<16xf32>,
    %get3A_572 = vector.shape_cast %get3A_571 : vector<16xf32> to vector<16xf32>
    %mul3A_573 = arith.mulf %get3A_572, %div3A_332 : vector<16xf32>
    %get3A_574 = arith.constant 144 : index
    %get3A_575 = tpu.vector_load %arg12[%get3A_574] {strides = array<i32>} : memref<512xf32, #tpu.memory_space<vmem>>, vector<16xf32>,
    %get3A_576 = vector.shape_cast %get3A_575 : vector<16xf32> to vector<16xf32>
    %get3A_577 = arith.constant 144 : index
    %get3A_578 = tpu.vector_load %arg13[%get3A_577] {strides = array<i32>} : memref<512xf32, #tpu.memory_space<vmem>>, vector<16xf32>,
    %get3A_579 = vector.shape_cast %get3A_578 : vector<16xf32> to vector<16xf32>
    %sub3A_580 = arith.subf %get3A_576, %get3A_579 : vector<16xf32>
    %mul3A_581 = arith.mulf %mul3A_573, %sub3A_580 : vector<16xf32>
    %swap3A_582 = arith.constant 144 : index
    %swap3A_583 = tpu.vector_load %arg15[%swap3A_582] {strides = array<i32>} : memref<512xf32, #tpu.memory_space<vmem>>, vector<16xf32>,
    %swap3A_584 = vector.shape_cast %swap3A_583 : vector<16xf32> to vector<16xf32>
    %swap3A_585 = vector.shape_cast %mul3A_581 : vector<16xf32> to vector<16xf32>
    tpu.vector_store %arg15[%swap3A_582], %swap3A_585 {strides = array<i32>} : memref<512xf32, #tpu.memory_space<vmem>>, vector<16xf32>,
    %get3A_586 = arith.constant 160 : index
    %get3A_587 = tpu.vector_load %arg14[%get3A_586] {strides = array<i32>} : memref<512xf32, #tpu.memory_space<vmem>>, vector<16xf32>,
    %get3A_588 = vector.shape_cast %get3A_587 : vector<16xf32> to vector<16xf32>
    %mul3A_589 = arith.mulf %get3A_588, %div3A_332 : vector<16xf32>
    %get3A_590 = arith.constant 160 : index
    %get3A_591 = tpu.vector_load %arg12[%get3A_590] {strides = array<i32>} : memref<512xf32, #tpu.memory_space<vmem>>, vector<16xf32>,
    %get3A_592 = vector.shape_cast %get3A_591 : vector<16xf32> to vector<16xf32>
    %get3A_593 = arith.constant 160 : index
    %get3A_594 = tpu.vector_load %arg13[%get3A_593] {strides = array<i32>} : memref<512xf32, #tpu.memory_space<vmem>>, vector<16xf32>,
    %get3A_595 = vector.shape_cast %get3A_594 : vector<16xf32> to vector<16xf32>
    %sub3A_596 = arith.subf %get3A_592, %get3A_595 : vector<16xf32>
    %mul3A_597 = arith.mulf %mul3A_589, %sub3A_596 : vector<16xf32>
    %swap3A_598 = arith.constant 160 : index
    %swap3A_599 = tpu.vector_load %arg15[%swap3A_598] {strides = array<i32>} : memref<512xf32, #tpu.memory_space<vmem>>, vector<16xf32>,
    %swap3A_600 = vector.shape_cast %swap3A_599 : vector<16xf32> to vector<16xf32>
    %swap3A_601 = vector.shape_cast %mul3A_597 : vector<16xf32> to vector<16xf32>
    tpu.vector_store %arg15[%swap3A_598], %swap3A_601 {strides = array<i32>} : memref<512xf32, #tpu.memory_space<vmem>>, vector<16xf32>,
    %get3A_602 = arith.constant 176 : index
    %get3A_603 = tpu.vector_load %arg14[%get3A_602] {strides = array<i32>} : memref<512xf32, #tpu.memory_space<vmem>>, vector<16xf32>,
    %get3A_604 = vector.shape_cast %get3A_603 : vector<16xf32> to vector<16xf32>
    %mul3A_605 = arith.mulf %get3A_604, %div3A_332 : vector<16xf32>
    %get3A_606 = arith.constant 176 : index
    %get3A_607 = tpu.vector_load %arg12[%get3A_606] {strides = array<i32>} : memref<512xf32, #tpu.memory_space<vmem>>, vector<16xf32>,
    %get3A_608 = vector.shape_cast %get3A_607 : vector<16xf32> to vector<16xf32>
    %get3A_609 = arith.constant 176 : index
    %get3A_610 = tpu.vector_load %arg13[%get3A_609] {strides = array<i32>} : memref<512xf32, #tpu.memory_space<vmem>>, vector<16xf32>,
    %get3A_611 = vector.shape_cast %get3A_610 : vector<16xf32> to vector<16xf32>
    %sub3A_612 = arith.subf %get3A_608, %get3A_611 : vector<16xf32>
    %mul3A_613 = arith.mulf %mul3A_605, %sub3A_612 : vector<16xf32>
    %swap3A_614 = arith.constant 176 : index
    %swap3A_615 = tpu.vector_load %arg15[%swap3A_614] {strides = array<i32>} : memref<512xf32, #tpu.memory_space<vmem>>, vector<16xf32>,
    %swap3A_616 = vector.shape_cast %swap3A_615 : vector<16xf32> to vector<16xf32>
    %swap3A_617 = vector.shape_cast %mul3A_613 : vector<16xf32> to vector<16xf32>
    tpu.vector_store %arg15[%swap3A_614], %swap3A_617 {strides = array<i32>} : memref<512xf32, #tpu.memory_space<vmem>>, vector<16xf32>,
    %get3A_618 = arith.constant 192 : index
    %get3A_619 = tpu.vector_load %arg14[%get3A_618] {strides = array<i32>} : memref<512xf32, #tpu.memory_space<vmem>>, vector<16xf32>,
    %get3A_620 = vector.shape_cast %get3A_619 : vector<16xf32> to vector<16xf32>
    %mul3A_621 = arith.mulf %get3A_620, %div3A_332 : vector<16xf32>
    %get3A_622 = arith.constant 192 : index
    %get3A_623 = tpu.vector_load %arg12[%get3A_622] {strides = array<i32>} : memref<512xf32, #tpu.memory_space<vmem>>, vector<16xf32>,
    %get3A_624 = vector.shape_cast %get3A_623 : vector<16xf32> to vector<16xf32>
    %get3A_625 = arith.constant 192 : index
    %get3A_626 = tpu.vector_load %arg13[%get3A_625] {strides = array<i32>} : memref<512xf32, #tpu.memory_space<vmem>>, vector<16xf32>,
    %get3A_627 = vector.shape_cast %get3A_626 : vector<16xf32> to vector<16xf32>
    %sub3A_628 = arith.subf %get3A_624, %get3A_627 : vector<16xf32>
    %mul3A_629 = arith.mulf %mul3A_621, %sub3A_628 : vector<16xf32>
    %swap3A_630 = arith.constant 192 : index
    %swap3A_631 = tpu.vector_load %arg15[%swap3A_630] {strides = array<i32>} : memref<512xf32, #tpu.memory_space<vmem>>, vector<16xf32>,
    %swap3A_632 = vector.shape_cast %swap3A_631 : vector<16xf32> to vector<16xf32>
    %swap3A_633 = vector.shape_cast %mul3A_629 : vector<16xf32> to vector<16xf32>
    tpu.vector_store %arg15[%swap3A_630], %swap3A_633 {strides = array<i32>} : memref<512xf32, #tpu.memory_space<vmem>>, vector<16xf32>,
    %get3A_634 = arith.constant 208 : index
    %get3A_635 = tpu.vector_load %arg14[%get3A_634] {strides = array<i32>} : memref<512xf32, #tpu.memory_space<vmem>>, vector<16xf32>,
    %get3A_636 = vector.shape_cast %get3A_635 : vector<16xf32> to vector<16xf32>
    %mul3A_637 = arith.mulf %get3A_636, %div3A_332 : vector<16xf32>
    %get3A_638 = arith.constant 208 : index
    %get3A_639 = tpu.vector_load %arg12[%get3A_638] {strides = array<i32>} : memref<512xf32, #tpu.memory_space<vmem>>, vector<16xf32>,
    %get3A_640 = vector.shape_cast %get3A_639 : vector<16xf32> to vector<16xf32>
    %get3A_641 = arith.constant 208 : index
    %get3A_642 = tpu.vector_load %arg13[%get3A_641] {strides = array<i32>} : memref<512xf32, #tpu.memory_space<vmem>>, vector<16xf32>,
    %get3A_643 = vector.shape_cast %get3A_642 : vector<16xf32> to vector<16xf32>
    %sub3A_644 = arith.subf %get3A_640, %get3A_643 : vector<16xf32>
    %mul3A_645 = arith.mulf %mul3A_637, %sub3A_644 : vector<16xf32>
    %swap3A_646 = arith.constant 208 : index
    %swap3A_647 = tpu.vector_load %arg15[%swap3A_646] {strides = array<i32>} : memref<512xf32, #tpu.memory_space<vmem>>, vector<16xf32>,
    %swap3A_648 = vector.shape_cast %swap3A_647 : vector<16xf32> to vector<16xf32>
    %swap3A_649 = vector.shape_cast %mul3A_645 : vector<16xf32> to vector<16xf32>
    tpu.vector_store %arg15[%swap3A_646], %swap3A_649 {strides = array<i32>} : memref<512xf32, #tpu.memory_space<vmem>>, vector<16xf32>,
    %get3A_650 = arith.constant 224 : index
    %get3A_651 = tpu.vector_load %arg14[%get3A_650] {strides = array<i32>} : memref<512xf32, #tpu.memory_space<vmem>>, vector<16xf32>,
    %get3A_652 = vector.shape_cast %get3A_651 : vector<16xf32> to vector<16xf32>
    %mul3A_653 = arith.mulf %get3A_652, %div3A_332 : vector<16xf32>
    %get3A_654 = arith.constant 224 : index
    %get3A_655 = tpu.vector_load %arg12[%get3A_654] {strides = array<i32>} : memref<512xf32, #tpu.memory_space<vmem>>, vector<16xf32>,
    %get3A_656 = vector.shape_cast %get3A_655 : vector<16xf32> to vector<16xf32>
    %get3A_657 = arith.constant 224 : index
    %get3A_658 = tpu.vector_load %arg13[%get3A_657] {strides = array<i32>} : memref<512xf32, #tpu.memory_space<vmem>>, vector<16xf32>,
    %get3A_659 = vector.shape_cast %get3A_658 : vector<16xf32> to vector<16xf32>
    %sub3A_660 = arith.subf %get3A_656, %get3A_659 : vector<16xf32>
    %mul3A_661 = arith.mulf %mul3A_653, %sub3A_660 : vector<16xf32>
    %swap3A_662 = arith.constant 224 : index
    %swap3A_663 = tpu.vector_load %arg15[%swap3A_662] {strides = array<i32>} : memref<512xf32, #tpu.memory_space<vmem>>, vector<16xf32>,
    %swap3A_664 = vector.shape_cast %swap3A_663 : vector<16xf32> to vector<16xf32>
    %swap3A_665 = vector.shape_cast %mul3A_661 : vector<16xf32> to vector<16xf32>
    tpu.vector_store %arg15[%swap3A_662], %swap3A_665 {strides = array<i32>} : memref<512xf32, #tpu.memory_space<vmem>>, vector<16xf32>,
    %get3A_666 = arith.constant 240 : index
    %get3A_667 = tpu.vector_load %arg14[%get3A_666] {strides = array<i32>} : memref<512xf32, #tpu.memory_space<vmem>>, vector<16xf32>,
    %get3A_668 = vector.shape_cast %get3A_667 : vector<16xf32> to vector<16xf32>
    %mul3A_669 = arith.mulf %get3A_668, %div3A_332 : vector<16xf32>
    %get3A_670 = arith.constant 240 : index
    %get3A_671 = tpu.vector_load %arg12[%get3A_670] {strides = array<i32>} : memref<512xf32, #tpu.memory_space<vmem>>, vector<16xf32>,
    %get3A_672 = vector.shape_cast %get3A_671 : vector<16xf32> to vector<16xf32>
    %get3A_673 = arith.constant 240 : index
    %get3A_674 = tpu.vector_load %arg13[%get3A_673] {strides = array<i32>} : memref<512xf32, #tpu.memory_space<vmem>>, vector<16xf32>,
    %get3A_675 = vector.shape_cast %get3A_674 : vector<16xf32> to vector<16xf32>
    %sub3A_676 = arith.subf %get3A_672, %get3A_675 : vector<16xf32>
    %mul3A_677 = arith.mulf %mul3A_669, %sub3A_676 : vector<16xf32>
    %swap3A_678 = arith.constant 240 : index
    %swap3A_679 = tpu.vector_load %arg15[%swap3A_678] {strides = array<i32>} : memref<512xf32, #tpu.memory_space<vmem>>, vector<16xf32>,
    %swap3A_680 = vector.shape_cast %swap3A_679 : vector<16xf32> to vector<16xf32>
    %swap3A_681 = vector.shape_cast %mul3A_677 : vector<16xf32> to vector<16xf32>
    tpu.vector_store %arg15[%swap3A_678], %swap3A_681 {strides = array<i32>} : memref<512xf32, #tpu.memory_space<vmem>>, vector<16xf32>,
    %get3A_682 = arith.constant 256 : index
    %get3A_683 = tpu.vector_load %arg14[%get3A_682] {strides = array<i32>} : memref<512xf32, #tpu.memory_space<vmem>>, vector<16xf32>,
    %get3A_684 = vector.shape_cast %get3A_683 : vector<16xf32> to vector<16xf32>
    %mul3A_685 = arith.mulf %get3A_684, %div3A_332 : vector<16xf32>
    %get3A_686 = arith.constant 256 : index
    %get3A_687 = tpu.vector_load %arg12[%get3A_686] {strides = array<i32>} : memref<512xf32, #tpu.memory_space<vmem>>, vector<16xf32>,
    %get3A_688 = vector.shape_cast %get3A_687 : vector<16xf32> to vector<16xf32>
    %get3A_689 = arith.constant 256 : index
    %get3A_690 = tpu.vector_load %arg13[%get3A_689] {strides = array<i32>} : memref<512xf32, #tpu.memory_space<vmem>>, vector<16xf32>,
    %get3A_691 = vector.shape_cast %get3A_690 : vector<16xf32> to vector<16xf32>
    %sub3A_692 = arith.subf %get3A_688, %get3A_691 : vector<16xf32>
    %mul3A_693 = arith.mulf %mul3A_685, %sub3A_692 : vector<16xf32>
    %swap3A_694 = arith.constant 256 : index
    %swap3A_695 = tpu.vector_load %arg15[%swap3A_694] {strides = array<i32>} : memref<512xf32, #tpu.memory_space<vmem>>, vector<16xf32>,
    %swap3A_696 = vector.shape_cast %swap3A_695 : vector<16xf32> to vector<16xf32>
    %swap3A_697 = vector.shape_cast %mul3A_693 : vector<16xf32> to vector<16xf32>
    tpu.vector_store %arg15[%swap3A_694], %swap3A_697 {strides = array<i32>} : memref<512xf32, #tpu.memory_space<vmem>>, vector<16xf32>,
    %get3A_698 = arith.constant 272 : index
    %get3A_699 = tpu.vector_load %arg14[%get3A_698] {strides = array<i32>} : memref<512xf32, #tpu.memory_space<vmem>>, vector<16xf32>,
    %get3A_700 = vector.shape_cast %get3A_699 : vector<16xf32> to vector<16xf32>
    %mul3A_701 = arith.mulf %get3A_700, %div3A_332 : vector<16xf32>
    %get3A_702 = arith.constant 272 : index
    %get3A_703 = tpu.vector_load %arg12[%get3A_702] {strides = array<i32>} : memref<512xf32, #tpu.memory_space<vmem>>, vector<16xf32>,
    %get3A_704 = vector.shape_cast %get3A_703 : vector<16xf32> to vector<16xf32>
    %get3A_705 = arith.constant 272 : index
    %get3A_706 = tpu.vector_load %arg13[%get3A_705] {strides = array<i32>} : memref<512xf32, #tpu.memory_space<vmem>>, vector<16xf32>,
    %get3A_707 = vector.shape_cast %get3A_706 : vector<16xf32> to vector<16xf32>
    %sub3A_708 = arith.subf %get3A_704, %get3A_707 : vector<16xf32>
    %mul3A_709 = arith.mulf %mul3A_701, %sub3A_708 : vector<16xf32>
    %swap3A_710 = arith.constant 272 : index
    %swap3A_711 = tpu.vector_load %arg15[%swap3A_710] {strides = array<i32>} : memref<512xf32, #tpu.memory_space<vmem>>, vector<16xf32>,
    %swap3A_712 = vector.shape_cast %swap3A_711 : vector<16xf32> to vector<16xf32>
    %swap3A_713 = vector.shape_cast %mul3A_709 : vector<16xf32> to vector<16xf32>
    tpu.vector_store %arg15[%swap3A_710], %swap3A_713 {strides = array<i32>} : memref<512xf32, #tpu.memory_space<vmem>>, vector<16xf32>,
    %get3A_714 = arith.constant 288 : index
    %get3A_715 = tpu.vector_load %arg14[%get3A_714] {strides = array<i32>} : memref<512xf32, #tpu.memory_space<vmem>>, vector<16xf32>,
    %get3A_716 = vector.shape_cast %get3A_715 : vector<16xf32> to vector<16xf32>
    %mul3A_717 = arith.mulf %get3A_716, %div3A_332 : vector<16xf32>
    %get3A_718 = arith.constant 288 : index
    %get3A_719 = tpu.vector_load %arg12[%get3A_718] {strides = array<i32>} : memref<512xf32, #tpu.memory_space<vmem>>, vector<16xf32>,
    %get3A_720 = vector.shape_cast %get3A_719 : vector<16xf32> to vector<16xf32>
    %get3A_721 = arith.constant 288 : index
    %get3A_722 = tpu.vector_load %arg13[%get3A_721] {strides = array<i32>} : memref<512xf32, #tpu.memory_space<vmem>>, vector<16xf32>,
    %get3A_723 = vector.shape_cast %get3A_722 : vector<16xf32> to vector<16xf32>
    %sub3A_724 = arith.subf %get3A_720, %get3A_723 : vector<16xf32>
    %mul3A_725 = arith.mulf %mul3A_717, %sub3A_724 : vector<16xf32>
    %swap3A_726 = arith.constant 288 : index
    %swap3A_727 = tpu.vector_load %arg15[%swap3A_726] {strides = array<i32>} : memref<512xf32, #tpu.memory_space<vmem>>, vector<16xf32>,
    %swap3A_728 = vector.shape_cast %swap3A_727 : vector<16xf32> to vector<16xf32>
    %swap3A_729 = vector.shape_cast %mul3A_725 : vector<16xf32> to vector<16xf32>
    tpu.vector_store %arg15[%swap3A_726], %swap3A_729 {strides = array<i32>} : memref<512xf32, #tpu.memory_space<vmem>>, vector<16xf32>,
    %get3A_730 = arith.constant 304 : index
    %get3A_731 = tpu.vector_load %arg14[%get3A_730] {strides = array<i32>} : memref<512xf32, #tpu.memory_space<vmem>>, vector<16xf32>,
    %get3A_732 = vector.shape_cast %get3A_731 : vector<16xf32> to vector<16xf32>
    %mul3A_733 = arith.mulf %get3A_732, %div3A_332 : vector<16xf32>
    %get3A_734 = arith.constant 304 : index
    %get3A_735 = tpu.vector_load %arg12[%get3A_734] {strides = array<i32>} : memref<512xf32, #tpu.memory_space<vmem>>, vector<16xf32>,
    %get3A_736 = vector.shape_cast %get3A_735 : vector<16xf32> to vector<16xf32>
    %get3A_737 = arith.constant 304 : index
    %get3A_738 = tpu.vector_load %arg13[%get3A_737] {strides = array<i32>} : memref<512xf32, #tpu.memory_space<vmem>>, vector<16xf32>,
    %get3A_739 = vector.shape_cast %get3A_738 : vector<16xf32> to vector<16xf32>
    %sub3A_740 = arith.subf %get3A_736, %get3A_739 : vector<16xf32>
    %mul3A_741 = arith.mulf %mul3A_733, %sub3A_740 : vector<16xf32>
    %swap3A_742 = arith.constant 304 : index
    %swap3A_743 = tpu.vector_load %arg15[%swap3A_742] {strides = array<i32>} : memref<512xf32, #tpu.memory_space<vmem>>, vector<16xf32>,
    %swap3A_744 = vector.shape_cast %swap3A_743 : vector<16xf32> to vector<16xf32>
    %swap3A_745 = vector.shape_cast %mul3A_741 : vector<16xf32> to vector<16xf32>
    tpu.vector_store %arg15[%swap3A_742], %swap3A_745 {strides = array<i32>} : memref<512xf32, #tpu.memory_space<vmem>>, vector<16xf32>,
    %get3A_746 = arith.constant 320 : index
    %get3A_747 = tpu.vector_load %arg14[%get3A_746] {strides = array<i32>} : memref<512xf32, #tpu.memory_space<vmem>>, vector<16xf32>,
    %get3A_748 = vector.shape_cast %get3A_747 : vector<16xf32> to vector<16xf32>
    %mul3A_749 = arith.mulf %get3A_748, %div3A_332 : vector<16xf32>
    %get3A_750 = arith.constant 320 : index
    %get3A_751 = tpu.vector_load %arg12[%get3A_750] {strides = array<i32>} : memref<512xf32, #tpu.memory_space<vmem>>, vector<16xf32>,
    %get3A_752 = vector.shape_cast %get3A_751 : vector<16xf32> to vector<16xf32>
    %get3A_753 = arith.constant 320 : index
    %get3A_754 = tpu.vector_load %arg13[%get3A_753] {strides = array<i32>} : memref<512xf32, #tpu.memory_space<vmem>>, vector<16xf32>,
    %get3A_755 = vector.shape_cast %get3A_754 : vector<16xf32> to vector<16xf32>
    %sub3A_756 = arith.subf %get3A_752, %get3A_755 : vector<16xf32>
    %mul3A_757 = arith.mulf %mul3A_749, %sub3A_756 : vector<16xf32>
    %swap3A_758 = arith.constant 320 : index
    %swap3A_759 = tpu.vector_load %arg15[%swap3A_758] {strides = array<i32>} : memref<512xf32, #tpu.memory_space<vmem>>, vector<16xf32>,
    %swap3A_760 = vector.shape_cast %swap3A_759 : vector<16xf32> to vector<16xf32>
    %swap3A_761 = vector.shape_cast %mul3A_757 : vector<16xf32> to vector<16xf32>
    tpu.vector_store %arg15[%swap3A_758], %swap3A_761 {strides = array<i32>} : memref<512xf32, #tpu.memory_space<vmem>>, vector<16xf32>,
    %get3A_762 = arith.constant 336 : index
    %get3A_763 = tpu.vector_load %arg14[%get3A_762] {strides = array<i32>} : memref<512xf32, #tpu.memory_space<vmem>>, vector<16xf32>,
    %get3A_764 = vector.shape_cast %get3A_763 : vector<16xf32> to vector<16xf32>
    %mul3A_765 = arith.mulf %get3A_764, %div3A_332 : vector<16xf32>
    %get3A_766 = arith.constant 336 : index
    %get3A_767 = tpu.vector_load %arg12[%get3A_766] {strides = array<i32>} : memref<512xf32, #tpu.memory_space<vmem>>, vector<16xf32>,
    %get3A_768 = vector.shape_cast %get3A_767 : vector<16xf32> to vector<16xf32>
    %get3A_769 = arith.constant 336 : index
    %get3A_770 = tpu.vector_load %arg13[%get3A_769] {strides = array<i32>} : memref<512xf32, #tpu.memory_space<vmem>>, vector<16xf32>,
    %get3A_771 = vector.shape_cast %get3A_770 : vector<16xf32> to vector<16xf32>
    %sub3A_772 = arith.subf %get3A_768, %get3A_771 : vector<16xf32>
    %mul3A_773 = arith.mulf %mul3A_765, %sub3A_772 : vector<16xf32>
    %swap3A_774 = arith.constant 336 : index
    %swap3A_775 = tpu.vector_load %arg15[%swap3A_774] {strides = array<i32>} : memref<512xf32, #tpu.memory_space<vmem>>, vector<16xf32>,
    %swap3A_776 = vector.shape_cast %swap3A_775 : vector<16xf32> to vector<16xf32>
    %swap3A_777 = vector.shape_cast %mul3A_773 : vector<16xf32> to vector<16xf32>
    tpu.vector_store %arg15[%swap3A_774], %swap3A_777 {strides = array<i32>} : memref<512xf32, #tpu.memory_space<vmem>>, vector<16xf32>,
    %get3A_778 = arith.constant 352 : index
    %get3A_779 = tpu.vector_load %arg14[%get3A_778] {strides = array<i32>} : memref<512xf32, #tpu.memory_space<vmem>>, vector<16xf32>,
    %get3A_780 = vector.shape_cast %get3A_779 : vector<16xf32> to vector<16xf32>
    %mul3A_781 = arith.mulf %get3A_780, %div3A_332 : vector<16xf32>
    %get3A_782 = arith.constant 352 : index
    %get3A_783 = tpu.vector_load %arg12[%get3A_782] {strides = array<i32>} : memref<512xf32, #tpu.memory_space<vmem>>, vector<16xf32>,
    %get3A_784 = vector.shape_cast %get3A_783 : vector<16xf32> to vector<16xf32>
    %get3A_785 = arith.constant 352 : index
    %get3A_786 = tpu.vector_load %arg13[%get3A_785] {strides = array<i32>} : memref<512xf32, #tpu.memory_space<vmem>>, vector<16xf32>,
    %get3A_787 = vector.shape_cast %get3A_786 : vector<16xf32> to vector<16xf32>
    %sub3A_788 = arith.subf %get3A_784, %get3A_787 : vector<16xf32>
    %mul3A_789 = arith.mulf %mul3A_781, %sub3A_788 : vector<16xf32>
    %swap3A_790 = arith.constant 352 : index
    %swap3A_791 = tpu.vector_load %arg15[%swap3A_790] {strides = array<i32>} : memref<512xf32, #tpu.memory_space<vmem>>, vector<16xf32>,
    %swap3A_792 = vector.shape_cast %swap3A_791 : vector<16xf32> to vector<16xf32>
    %swap3A_793 = vector.shape_cast %mul3A_789 : vector<16xf32> to vector<16xf32>
    tpu.vector_store %arg15[%swap3A_790], %swap3A_793 {strides = array<i32>} : memref<512xf32, #tpu.memory_space<vmem>>, vector<16xf32>,
    %get3A_794 = arith.constant 368 : index
    %get3A_795 = tpu.vector_load %arg14[%get3A_794] {strides = array<i32>} : memref<512xf32, #tpu.memory_space<vmem>>, vector<16xf32>,
    %get3A_796 = vector.shape_cast %get3A_795 : vector<16xf32> to vector<16xf32>
    %mul3A_797 = arith.mulf %get3A_796, %div3A_332 : vector<16xf32>
    %get3A_798 = arith.constant 368 : index
    %get3A_799 = tpu.vector_load %arg12[%get3A_798] {strides = array<i32>} : memref<512xf32, #tpu.memory_space<vmem>>, vector<16xf32>,
    %get3A_800 = vector.shape_cast %get3A_799 : vector<16xf32> to vector<16xf32>
    %get3A_801 = arith.constant 368 : index
    %get3A_802 = tpu.vector_load %arg13[%get3A_801] {strides = array<i32>} : memref<512xf32, #tpu.memory_space<vmem>>, vector<16xf32>,
    %get3A_803 = vector.shape_cast %get3A_802 : vector<16xf32> to vector<16xf32>
    %sub3A_804 = arith.subf %get3A_800, %get3A_803 : vector<16xf32>
    %mul3A_805 = arith.mulf %mul3A_797, %sub3A_804 : vector<16xf32>
    %swap3A_806 = arith.constant 368 : index
    %swap3A_807 = tpu.vector_load %arg15[%swap3A_806] {strides = array<i32>} : memref<512xf32, #tpu.memory_space<vmem>>, vector<16xf32>,
    %swap3A_808 = vector.shape_cast %swap3A_807 : vector<16xf32> to vector<16xf32>
    %swap3A_809 = vector.shape_cast %mul3A_805 : vector<16xf32> to vector<16xf32>
    tpu.vector_store %arg15[%swap3A_806], %swap3A_809 {strides = array<i32>} : memref<512xf32, #tpu.memory_space<vmem>>, vector<16xf32>,
    %get3A_810 = arith.constant 384 : index
    %get3A_811 = tpu.vector_load %arg14[%get3A_810] {strides = array<i32>} : memref<512xf32, #tpu.memory_space<vmem>>, vector<16xf32>,
    %get3A_812 = vector.shape_cast %get3A_811 : vector<16xf32> to vector<16xf32>
    %mul3A_813 = arith.mulf %get3A_812, %div3A_332 : vector<16xf32>
    %get3A_814 = arith.constant 384 : index
    %get3A_815 = tpu.vector_load %arg12[%get3A_814] {strides = array<i32>} : memref<512xf32, #tpu.memory_space<vmem>>, vector<16xf32>,
    %get3A_816 = vector.shape_cast %get3A_815 : vector<16xf32> to vector<16xf32>
    %get3A_817 = arith.constant 384 : index
    %get3A_818 = tpu.vector_load %arg13[%get3A_817] {strides = array<i32>} : memref<512xf32, #tpu.memory_space<vmem>>, vector<16xf32>,
    %get3A_819 = vector.shape_cast %get3A_818 : vector<16xf32> to vector<16xf32>
    %sub3A_820 = arith.subf %get3A_816, %get3A_819 : vector<16xf32>
    %mul3A_821 = arith.mulf %mul3A_813, %sub3A_820 : vector<16xf32>
    %swap3A_822 = arith.constant 384 : index
    %swap3A_823 = tpu.vector_load %arg15[%swap3A_822] {strides = array<i32>} : memref<512xf32, #tpu.memory_space<vmem>>, vector<16xf32>,
    %swap3A_824 = vector.shape_cast %swap3A_823 : vector<16xf32> to vector<16xf32>
    %swap3A_825 = vector.shape_cast %mul3A_821 : vector<16xf32> to vector<16xf32>
    tpu.vector_store %arg15[%swap3A_822], %swap3A_825 {strides = array<i32>} : memref<512xf32, #tpu.memory_space<vmem>>, vector<16xf32>,
    %get3A_826 = arith.constant 400 : index
    %get3A_827 = tpu.vector_load %arg14[%get3A_826] {strides = array<i32>} : memref<512xf32, #tpu.memory_space<vmem>>, vector<16xf32>,
    %get3A_828 = vector.shape_cast %get3A_827 : vector<16xf32> to vector<16xf32>
    %mul3A_829 = arith.mulf %get3A_828, %div3A_332 : vector<16xf32>
    %get3A_830 = arith.constant 400 : index
    %get3A_831 = tpu.vector_load %arg12[%get3A_830] {strides = array<i32>} : memref<512xf32, #tpu.memory_space<vmem>>, vector<16xf32>,
    %get3A_832 = vector.shape_cast %get3A_831 : vector<16xf32> to vector<16xf32>
    %get3A_833 = arith.constant 400 : index
    %get3A_834 = tpu.vector_load %arg13[%get3A_833] {strides = array<i32>} : memref<512xf32, #tpu.memory_space<vmem>>, vector<16xf32>,
    %get3A_835 = vector.shape_cast %get3A_834 : vector<16xf32> to vector<16xf32>
    %sub3A_836 = arith.subf %get3A_832, %get3A_835 : vector<16xf32>
    %mul3A_837 = arith.mulf %mul3A_829, %sub3A_836 : vector<16xf32>
    %swap3A_838 = arith.constant 400 : index
    %swap3A_839 = tpu.vector_load %arg15[%swap3A_838] {strides = array<i32>} : memref<512xf32, #tpu.memory_space<vmem>>, vector<16xf32>,
    %swap3A_840 = vector.shape_cast %swap3A_839 : vector<16xf32> to vector<16xf32>
    %swap3A_841 = vector.shape_cast %mul3A_837 : vector<16xf32> to vector<16xf32>
    tpu.vector_store %arg15[%swap3A_838], %swap3A_841 {strides = array<i32>} : memref<512xf32, #tpu.memory_space<vmem>>, vector<16xf32>,
    %get3A_842 = arith.constant 416 : index
    %get3A_843 = tpu.vector_load %arg14[%get3A_842] {strides = array<i32>} : memref<512xf32, #tpu.memory_space<vmem>>, vector<16xf32>,
    %get3A_844 = vector.shape_cast %get3A_843 : vector<16xf32> to vector<16xf32>
    %mul3A_845 = arith.mulf %get3A_844, %div3A_332 : vector<16xf32>
    %get3A_846 = arith.constant 416 : index
    %get3A_847 = tpu.vector_load %arg12[%get3A_846] {strides = array<i32>} : memref<512xf32, #tpu.memory_space<vmem>>, vector<16xf32>,
    %get3A_848 = vector.shape_cast %get3A_847 : vector<16xf32> to vector<16xf32>
    %get3A_849 = arith.constant 416 : index
    %get3A_850 = tpu.vector_load %arg13[%get3A_849] {strides = array<i32>} : memref<512xf32, #tpu.memory_space<vmem>>, vector<16xf32>,
    %get3A_851 = vector.shape_cast %get3A_850 : vector<16xf32> to vector<16xf32>
    %sub3A_852 = arith.subf %get3A_848, %get3A_851 : vector<16xf32>
    %mul3A_853 = arith.mulf %mul3A_845, %sub3A_852 : vector<16xf32>
    %swap3A_854 = arith.constant 416 : index
    %swap3A_855 = tpu.vector_load %arg15[%swap3A_854] {strides = array<i32>} : memref<512xf32, #tpu.memory_space<vmem>>, vector<16xf32>,
    %swap3A_856 = vector.shape_cast %swap3A_855 : vector<16xf32> to vector<16xf32>
    %swap3A_857 = vector.shape_cast %mul3A_853 : vector<16xf32> to vector<16xf32>
    tpu.vector_store %arg15[%swap3A_854], %swap3A_857 {strides = array<i32>} : memref<512xf32, #tpu.memory_space<vmem>>, vector<16xf32>,
    %get3A_858 = arith.constant 432 : index
    %get3A_859 = tpu.vector_load %arg14[%get3A_858] {strides = array<i32>} : memref<512xf32, #tpu.memory_space<vmem>>, vector<16xf32>,
    %get3A_860 = vector.shape_cast %get3A_859 : vector<16xf32> to vector<16xf32>
    %mul3A_861 = arith.mulf %get3A_860, %div3A_332 : vector<16xf32>
    %get3A_862 = arith.constant 432 : index
    %get3A_863 = tpu.vector_load %arg12[%get3A_862] {strides = array<i32>} : memref<512xf32, #tpu.memory_space<vmem>>, vector<16xf32>,
    %get3A_864 = vector.shape_cast %get3A_863 : vector<16xf32> to vector<16xf32>
    %get3A_865 = arith.constant 432 : index
    %get3A_866 = tpu.vector_load %arg13[%get3A_865] {strides = array<i32>} : memref<512xf32, #tpu.memory_space<vmem>>, vector<16xf32>,
    %get3A_867 = vector.shape_cast %get3A_866 : vector<16xf32> to vector<16xf32>
    %sub3A_868 = arith.subf %get3A_864, %get3A_867 : vector<16xf32>
    %mul3A_869 = arith.mulf %mul3A_861, %sub3A_868 : vector<16xf32>
    %swap3A_870 = arith.constant 432 : index
    %swap3A_871 = tpu.vector_load %arg15[%swap3A_870] {strides = array<i32>} : memref<512xf32, #tpu.memory_space<vmem>>, vector<16xf32>,
    %swap3A_872 = vector.shape_cast %swap3A_871 : vector<16xf32> to vector<16xf32>
    %swap3A_873 = vector.shape_cast %mul3A_869 : vector<16xf32> to vector<16xf32>
    tpu.vector_store %arg15[%swap3A_870], %swap3A_873 {strides = array<i32>} : memref<512xf32, #tpu.memory_space<vmem>>, vector<16xf32>,
    %get3A_874 = arith.constant 448 : index
    %get3A_875 = tpu.vector_load %arg14[%get3A_874] {strides = array<i32>} : memref<512xf32, #tpu.memory_space<vmem>>, vector<16xf32>,
    %get3A_876 = vector.shape_cast %get3A_875 : vector<16xf32> to vector<16xf32>
    %mul3A_877 = arith.mulf %get3A_876, %div3A_332 : vector<16xf32>
    %get3A_878 = arith.constant 448 : index
    %get3A_879 = tpu.vector_load %arg12[%get3A_878] {strides = array<i32>} : memref<512xf32, #tpu.memory_space<vmem>>, vector<16xf32>,
    %get3A_880 = vector.shape_cast %get3A_879 : vector<16xf32> to vector<16xf32>
    %get3A_881 = arith.constant 448 : index
    %get3A_882 = tpu.vector_load %arg13[%get3A_881] {strides = array<i32>} : memref<512xf32, #tpu.memory_space<vmem>>, vector<16xf32>,
    %get3A_883 = vector.shape_cast %get3A_882 : vector<16xf32> to vector<16xf32>
    %sub3A_884 = arith.subf %get3A_880, %get3A_883 : vector<16xf32>
    %mul3A_885 = arith.mulf %mul3A_877, %sub3A_884 : vector<16xf32>
    %swap3A_886 = arith.constant 448 : index
    %swap3A_887 = tpu.vector_load %arg15[%swap3A_886] {strides = array<i32>} : memref<512xf32, #tpu.memory_space<vmem>>, vector<16xf32>,
    %swap3A_888 = vector.shape_cast %swap3A_887 : vector<16xf32> to vector<16xf32>
    %swap3A_889 = vector.shape_cast %mul3A_885 : vector<16xf32> to vector<16xf32>
    tpu.vector_store %arg15[%swap3A_886], %swap3A_889 {strides = array<i32>} : memref<512xf32, #tpu.memory_space<vmem>>, vector<16xf32>,
    %get3A_890 = arith.constant 464 : index
    %get3A_891 = tpu.vector_load %arg14[%get3A_890] {strides = array<i32>} : memref<512xf32, #tpu.memory_space<vmem>>, vector<16xf32>,
    %get3A_892 = vector.shape_cast %get3A_891 : vector<16xf32> to vector<16xf32>
    %mul3A_893 = arith.mulf %get3A_892, %div3A_332 : vector<16xf32>
    %get3A_894 = arith.constant 464 : index
    %get3A_895 = tpu.vector_load %arg12[%get3A_894] {strides = array<i32>} : memref<512xf32, #tpu.memory_space<vmem>>, vector<16xf32>,
    %get3A_896 = vector.shape_cast %get3A_895 : vector<16xf32> to vector<16xf32>
    %get3A_897 = arith.constant 464 : index
    %get3A_898 = tpu.vector_load %arg13[%get3A_897] {strides = array<i32>} : memref<512xf32, #tpu.memory_space<vmem>>, vector<16xf32>,
    %get3A_899 = vector.shape_cast %get3A_898 : vector<16xf32> to vector<16xf32>
    %sub3A_900 = arith.subf %get3A_896, %get3A_899 : vector<16xf32>
    %mul3A_901 = arith.mulf %mul3A_893, %sub3A_900 : vector<16xf32>
    %swap3A_902 = arith.constant 464 : index
    %swap3A_903 = tpu.vector_load %arg15[%swap3A_902] {strides = array<i32>} : memref<512xf32, #tpu.memory_space<vmem>>, vector<16xf32>,
    %swap3A_904 = vector.shape_cast %swap3A_903 : vector<16xf32> to vector<16xf32>
    %swap3A_905 = vector.shape_cast %mul3A_901 : vector<16xf32> to vector<16xf32>
    tpu.vector_store %arg15[%swap3A_902], %swap3A_905 {strides = array<i32>} : memref<512xf32, #tpu.memory_space<vmem>>, vector<16xf32>,
    %get3A_906 = arith.constant 480 : index
    %get3A_907 = tpu.vector_load %arg14[%get3A_906] {strides = array<i32>} : memref<512xf32, #tpu.memory_space<vmem>>, vector<16xf32>,
    %get3A_908 = vector.shape_cast %get3A_907 : vector<16xf32> to vector<16xf32>
    %mul3A_909 = arith.mulf %get3A_908, %div3A_332 : vector<16xf32>
    %get3A_910 = arith.constant 480 : index
    %get3A_911 = tpu.vector_load %arg12[%get3A_910] {strides = array<i32>} : memref<512xf32, #tpu.memory_space<vmem>>, vector<16xf32>,
    %get3A_912 = vector.shape_cast %get3A_911 : vector<16xf32> to vector<16xf32>
    %get3A_913 = arith.constant 480 : index
    %get3A_914 = tpu.vector_load %arg13[%get3A_913] {strides = array<i32>} : memref<512xf32, #tpu.memory_space<vmem>>, vector<16xf32>,
    %get3A_915 = vector.shape_cast %get3A_914 : vector<16xf32> to vector<16xf32>
    %sub3A_916 = arith.subf %get3A_912, %get3A_915 : vector<16xf32>
    %mul3A_917 = arith.mulf %mul3A_909, %sub3A_916 : vector<16xf32>
    %swap3A_918 = arith.constant 480 : index
    %swap3A_919 = tpu.vector_load %arg15[%swap3A_918] {strides = array<i32>} : memref<512xf32, #tpu.memory_space<vmem>>, vector<16xf32>,
    %swap3A_920 = vector.shape_cast %swap3A_919 : vector<16xf32> to vector<16xf32>
    %swap3A_921 = vector.shape_cast %mul3A_917 : vector<16xf32> to vector<16xf32>
    tpu.vector_store %arg15[%swap3A_918], %swap3A_921 {strides = array<i32>} : memref<512xf32, #tpu.memory_space<vmem>>, vector<16xf32>,
    %get3A_922 = arith.constant 496 : index
    %get3A_923 = tpu.vector_load %arg14[%get3A_922] {strides = array<i32>} : memref<512xf32, #tpu.memory_space<vmem>>, vector<16xf32>,
    %get3A_924 = vector.shape_cast %get3A_923 : vector<16xf32> to vector<16xf32>
    %mul3A_925 = arith.mulf %get3A_924, %div3A_332 : vector<16xf32>
    %get3A_926 = arith.constant 496 : index
    %get3A_927 = tpu.vector_load %arg12[%get3A_926] {strides = array<i32>} : memref<512xf32, #tpu.memory_space<vmem>>, vector<16xf32>,
    %get3A_928 = vector.shape_cast %get3A_927 : vector<16xf32> to vector<16xf32>
    %get3A_929 = arith.constant 496 : index
    %get3A_930 = tpu.vector_load %arg13[%get3A_929] {strides = array<i32>} : memref<512xf32, #tpu.memory_space<vmem>>, vector<16xf32>,
    %get3A_931 = vector.shape_cast %get3A_930 : vector<16xf32> to vector<16xf32>
    %sub3A_932 = arith.subf %get3A_928, %get3A_931 : vector<16xf32>
    %mul3A_933 = arith.mulf %mul3A_925, %sub3A_932 : vector<16xf32>
    %swap3A_934 = arith.constant 496 : index
    %swap3A_935 = tpu.vector_load %arg15[%swap3A_934] {strides = array<i32>} : memref<512xf32, #tpu.memory_space<vmem>>, vector<16xf32>,
    %swap3A_936 = vector.shape_cast %swap3A_935 : vector<16xf32> to vector<16xf32>
    %swap3A_937 = vector.shape_cast %mul3A_933 : vector<16xf32> to vector<16xf32>
    tpu.vector_store %arg15[%swap3A_934], %swap3A_937 {strides = array<i32>} : memref<512xf32, #tpu.memory_space<vmem>>, vector<16xf32>,
    %mul3A_938 = arith.constant 512 : i32
    %mul3A_939 = arith.muli %add3A, %mul3A_938 : i32
    "tpu.region"() ({
      %run_scoped3A = tpu.sem_alloc : memref<!tpu.dma_semaphore, #tpu.memory_space<semaphore_mem>>
      %dma_start3A_940 = tpu.memref_slice %arg8[%mul3A_939] : memref<16384xf32, #tpu.memory_space<hbm>> -> memref<512xf32, #tpu.memory_space<hbm>>
      %dma_start3A_941 = tpu.memref_slice %arg8[%mul3A_939] : memref<16384xf32, #tpu.memory_space<hbm>> -> memref<512xf32, #tpu.memory_space<hbm>>
      tpu.enqueue_dma source(%arg15 : memref<512xf32, #tpu.memory_space<vmem>>) target(%dma_start3A_941 : memref<512xf32, #tpu.memory_space<hbm>>) target_semaphore(%run_scoped3A : memref<!tpu.dma_semaphore, #tpu.memory_space<semaphore_mem>>)
      %dma_wait3A_942 = tpu.memref_slice %arg8[%mul3A_939] : memref<16384xf32, #tpu.memory_space<hbm>> -> memref<512xf32, #tpu.memory_space<hbm>>
      %dma_wait3A_943 = tpu.memref_slice %arg8[%mul3A_939] : memref<16384xf32, #tpu.memory_space<hbm>> -> memref<512xf32, #tpu.memory_space<hbm>>
      tpu.wait_dma2 semaphore(%run_scoped3A : memref<!tpu.dma_semaphore, #tpu.memory_space<semaphore_mem>>) src(%arg15 : memref<512xf32, #tpu.memory_space<vmem>>) dst(%dma_wait3A_943 : memref<512xf32, #tpu.memory_space<hbm>>)
      tpu.yield
    }) : () -> ()
    return
  }
}

</mosaic_0001>

<sc_bundles>
// kernel: kernel.4.cloned.1.call-start
scs
__scs_entry_jumppad:
0x0: {  	(pc) =	sbr.rel $0x88, $3  }
0x1: {  	(tag) =	ssettag $0x0;
	lr =	simm.s32 $0x1  }
0x2: {  	[smem:$0x3F9E] =	sst lr;
	_ =	strace $0xD0000000  }
0x3: {  	_ = 	snop  }
0x4: {  	_ = 	snop  }
0x5: {  	_ = 	snop  }
0x6: {  	_ = 	snop  }
0x7: {  	_ = 	snop  }
__scs_overlays_trampoline_lowered:
0x8: {  	[smem:$0x3FAD] =	sst s0  }
0x9: {  	[smem:$0x3FAE] =	sst s1  }
0xa: {  	[smem:$0x3FAF] =	sst s2  }
0xb: {  	[smem:$0x3FB0] =	sst s3  }
0xc: {  	[smem:$0x3FB1] =	sst s4  }
0xd: {  	[smem:$0x3FB2] =	sst s5  }
0xe: {  	[smem:$0x3FB3] =	sst s6  }
0xf: {  	[smem:$0x3FB4] =	sst s7  }
0x10: {  	[smem:$0x3FB5] =	sst s8  }
0x11: {  	[smem:$0x3FB6] =	sst s9;
	s0 =	simm.s32 @!p0 $0x0  }
0x12: {  	s1 =	sld [smem:$0x3F9C];
	s0 =	simm.s32 @p0 $0x1  }
0x13: {  	[smem:$0x3FB7] =	sst s0;
	s0 =	simm.s32 @!p1 $0x0  }
0x14: {  	s2 =	sld [smem:$0x3F9B];
	s0 =	simm.s32 @p1 $0x1  }
0x15: {  	[smem:$0x3FB8] =	sst s0;
	s0 =	simm.s32 @!p2 $0x0  }
0x16: {  	s3 =	sld [smem:$0x3FDB];
	s0 =	simm.s32 @p2 $0x1  }
0x17: {  	s4 =	simm.s32 $0x1BF5;
	[smem:$0x3FBA] =	sst s0  }
0x18: {  	s0 =	sld [smem:$0x3F9D];
	_ =	swait.ge [sflag:s4], $0x0  }
0x19: {  	s7 =	sld [smem:$0x3F9E]  }
0x1a: {  	s8 =	sadd.s32 $0xFFFFE003, lr  }
0x1b: {  	s9 =	sadd.s32 $0xFFFFFEF7, lr;
	s5 =	simm.s32 $0xFFFFFFFF;
	p2 =	slt.u32 s8, $0xFFFFF086  }
0x1c: {  	p1 =	slt.u32 s9, $0xF7A;
	s5 =	simm.s32 @!p2 $0x0  }
0x1d: {  	s5 =	simm.s32 @p1 $0x1;
	p0 =	seq.s32 s7, s2  }
0x1e: {  	s7 =	smul.u32 @!p0 $0xF7A, s2;
	p2 =	seq.s32 @!p0 s5, $0x0  }
0x1f: {  	s9 =	smul.u32 $0xF7A, s1;
	s8 =	simm.s32 @!p0 $0x1BF5;
	p2 =	por !p2, p0  }
0x20: {  	[sflag:s8] =	ssyncset.s32 @!p0 $0xFFFFF086;
	s6 =	sadd.s32 @!p0 s3, s7;
	s7 =	simm.s32 @!p0 $0x108  }
0x21: {  	s3 =	sadd.s32 s3, s9;
	s6 =	sadd.s32 @!p0 $0x88, s6;
	s7 =	simm.s32 @p2 $0x1082  }
0x22: {  	[simem:s7], [sflag:s8] =	dma.local @!p0 [hbm:s6], $0xF7A  }
0x23: {  	s9 =	sor.u32 $0xD0000000, s2;
	s6 =	simm.s32 $0x108;
	_ =	swait.ge @!p0 [sflag:s8], $0x0  }
0x24: {  	s3 =	sadd.s32 $0x88, s3;
	s6 =	simm.s32 @!p1 $0x1082;
	[sflag:s4] =	ssyncset.s32 $0xFFFFF086  }
0x25: {  	[simem:s6], [sflag:s4] =	dma.local [hbm:s3], $0xF7A  }
0x26: {  	[smem:$0x3F9E] =	sst s1;
	(tag) =	ssettag s2;
	_ =	strace s9  }
0x27: {  	s1 =	sld [smem:$0x3FAE]  }
0x28: {  	s2 =	sld [smem:$0x3FAF]  }
0x29: {  	s4 =	sld [smem:$0x3FB1]  }
0x2a: {  	p0 =	seq.s32 s5, $0x0;
	s5 =	sld [smem:$0x3FB2]  }
0x2b: {  	s6 =	sld [smem:$0x3FB3]  }
0x2c: {  	s7 =	sld [smem:$0x3FB4]  }
0x2d: {  	s3 =	simm.s32 $0x108;
	s8 =	sld [smem:$0x3FB5]  }
0x2e: {  	s3 =	simm.s32 @!p0 $0x1082;
	s9 =	sld [smem:$0x3FB6]  }
0x2f: {  	lr =	sadd.s32 s0, s3;
	s0 =	sld [smem:$0x3FAD]  }
0x30: {  	s3 =	sld [smem:$0x3FB0]  }
0x31: {  	[smem:$0x3FB9] =	sst s10  }
0x32: {  	s10 =	sld [smem:$0x3FB7];
	_ =	sdelay $0x3  }
0x33: {  	p0 =	seq.s32 s10, $0x1;
	s10 =	sld [smem:$0x3FB9];
	_ =	sdelay $0x3  }
0x34: {  	[smem:$0x3FB9] =	sst s10  }
0x35: {  	s10 =	sld [smem:$0x3FB8];
	_ =	sdelay $0x3  }
0x36: {  	p1 =	seq.s32 s10, $0x1;
	s10 =	sld [smem:$0x3FB9];
	_ =	sdelay $0x3  }
0x37: {  	[smem:$0x3FB9] =	sst s10  }
0x38: {  	s10 =	sld [smem:$0x3FBA]  }
0x39: {  	_ = 	snop;
	(pc) =	sbr.ind lr, $3  }
0x3a: {  	_ = 	snop  }
0x3b: {  	_ = 	snop  }
0x3c: {  	p2 =	seq.s32 s10, $0x1;
	s10 =	sld [smem:$0x3FB9]  }
0x3d: {  	_ =	shalt  }
0x3e: {  	_ =	shalt  }
0x3f: {  	_ =	shalt  }
0x40: {  	_ =	shalt  }
0x41: {  	_ =	shalt  }
0x42: {  	_ =	shalt  }
0x43: {  	_ =	shalt  }
0x44: {  	_ =	shalt  }
0x45: {  	_ =	shalt  }
0x46: {  	_ =	shalt  }
0x47: {  	_ =	shalt  }
0x48: {  	_ =	shalt  }
0x49: {  	_ =	shalt  }
0x4a: {  	_ =	shalt  }
0x4b: {  	_ =	shalt  }
0x4c: {  	_ =	shalt  }
0x4d: {  	_ =	shalt  }
0x4e: {  	_ =	shalt  }
0x4f: {  	_ =	shalt  }
0x50: {  	_ =	shalt  }
0x51: {  	_ =	shalt  }
0x52: {  	_ =	shalt  }
0x53: {  	_ =	shalt  }
0x54: {  	_ =	shalt  }
0x55: {  	_ =	shalt  }
0x56: {  	_ =	shalt  }
0x57: {  	_ =	shalt  }
0x58: {  	_ =	shalt  }
0x59: {  	_ =	shalt  }
0x5a: {  	_ =	shalt  }
0x5b: {  	_ =	shalt  }
0x5c: {  	_ =	shalt  }
0x5d: {  	_ =	shalt  }
0x5e: {  	_ =	shalt  }
0x5f: {  	_ =	shalt  }
0x60: {  	_ =	shalt  }
0x61: {  	_ =	shalt  }
0x62: {  	_ =	shalt  }
0x63: {  	_ =	shalt  }
0x64: {  	_ =	shalt  }
0x65: {  	_ =	shalt  }
0x66: {  	_ =	shalt  }
0x67: {  	_ =	shalt  }
0x68: {  	_ =	shalt  }
0x69: {  	_ =	shalt  }
0x6a: {  	_ =	shalt  }
0x6b: {  	_ =	shalt  }
0x6c: {  	_ =	shalt  }
0x6d: {  	_ =	shalt  }
0x6e: {  	_ =	shalt  }
0x6f: {  	_ =	shalt  }
0x70: {  	_ =	shalt  }
0x71: {  	_ =	shalt  }
0x72: {  	_ =	shalt  }
0x73: {  	_ =	shalt  }
0x74: {  	_ =	shalt  }
0x75: {  	_ =	shalt  }
0x76: {  	_ =	shalt  }
0x77: {  	_ =	shalt  }
0x78: {  	_ =	shalt  }
0x79: {  	_ =	shalt  }
0x7a: {  	_ =	shalt  }
0x7b: {  	_ =	shalt  }
0x7c: {  	_ =	shalt  }
0x7d: {  	_ =	shalt  }
0x7e: {  	_ =	shalt  }
0x7f: {  	_ =	shalt  }
0x80: {  	_ =	shalt  }
0x81: {  	_ =	shalt  }
0x82: {  	_ =	shalt  }
0x83: {  	_ =	shalt  }
0x84: {  	_ =	shalt  }
0x85: {  	_ =	shalt  }
0x86: {  	_ =	shalt  }
0x87: {  	_ =	shalt  }
.Lfunc_end0:
.L_simem_size_0:
called_computation_lowered:
.L_overlay_start_0:
0x88: {  	s2 =	sld [smem:$0x3FD9]  }
0x89: {  	s3 =	sld [smem:$0x3FFE];
	_ =	sdelay $0x1  }
0x8a: {  	s1 =	srdreg.scid  }
0x8b: {  	s0 =	sand.u32 $0x1, s1  }
0x8c: {  	s16 =	sshll.u32 s0, $0xA;
	s2 =	sadd.s32 s3, s2  }
0x8d: {  	s2 =	sadd.s32 s2, s16  }
0x8e: {  	[smem:$0x3FC5] =	sst s2  }
0x8f: {  	_ = 	snop  }
0x90: {  	(tm) =	ssettm $0x1  }
0x91: {  	s17 =	sld [smem:$0x3FFB];
	_ =	sdelay $0x3  }
0x92: {  	_ =	strace s17  }
0x93: {  	s2 =	sld [smem:$0x3FFC];
	_ =	sdelay $0x3  }
0x94: {  	_ =	strace s2  }
0x95: {  	s2 =	sld [smem:$0x3FFD];
	_ =	sdelay $0x3  }
0x96: {  	_ =	strace s2  }
0x97: {  	_ =	strace $0x8FFFFFFF  }
0x98: {  	s18 =	sld [smem:$0x3FDB];
	_ =	sdelay $0x1  }
0x99: {  	s19 =	simm.s32 $_scs_section_size  }
0x9a: {  	s4 =	simm.s32 $_size__tile_overlayer_lowered;
	s5 =	simm.s32 $_tile_overlayer_lowered  }
0x9b: {  	s22 =	simm.s32 $0x1BFF;
	s21 =	sshll.u32 s5, $0x1;
	s2 =	sadd.s32 s19, s18  }
0x9c: {  	s6 =	simm.s32 $0x0;
	s20 =	sshll.u32 s4, $0x1;
	s4 =	sadd.s32 s21, s2  }
0x9d: {  	[timem:s6], [sflag:s22] =	dma.local [hbm:s4], s20  }
0x9e: {  	_ =	swait.ge [sflag:s22], s20  }
0x9f: {  	s3 =	ssub.s32 $0x0, s20;
	[sflag:s22] =	ssyncset.done $0x0  }
0xa0: {  	[sflag:s22] =	ssyncadd.s32 s3;
	_ =	sdelay $0x1  }
0xa1: {  	s23 =	simm.s32 $0x1B8B  }
0xa2: {  	_ =	swait.ge [sflag:s23], $0x1  }
0xa3: {  	[sflag:s23] =	ssyncset.done $0x0  }
0xa4: {  	s25 =	simm.s32 $0x1B8E;
	s24 =	sld [smem:$0x3FFE];
	[sflag:s23] =	ssyncadd.s32 $0xFFFFFFFF  }
0xa5: {  	s26 =	simm.s32 $execute0_lowered;
	[smem:$0x3FD2] =	sst s25  }
0xa6: {  	s4 =	sshll.u32 s26, $0x1;
	_ =	strace $0x80000046;
	[dreg:$0x1] =	wrdreg $0xFFFFFFFF  }
0xa7: {  	s28 =	simm.s32 $_size_execute0_lowered;
	s2 =	sadd.s32 s2, s4;
	[dreg:$0x0] =	wrdreg $0x0  }
0xa8: {  	s4 =	sshll.u32 s28, $0x1;
	[dreg:$0x2] =	wrdreg s2  }
0xa9: {  	[dreg:$0x3] =	wrdreg s4  }
0xaa: {  	[dreg:$0x4] =	wrdreg $0xC0  }
0xab: {  	_ =	task [dreg:s6], $0x5FFFF  }
0xac: {  	[dreg:$0x1] =	wrdreg $0xFFFFFFFF  }
0xad: {  	[dreg:$0x0] =	wrdreg $0x60  }
0xae: {  	[dreg:$0x2] =	wrdreg s24  }
0xaf: {  	[dreg:$0x3] =	wrdreg $0x9  }
0xb0: {  	_ =	task.clear_ibuf [dreg:s6], $0x4FFFF;
	_ =	strace $0x90000046  }
0xb1: {  	s29 =	simm.s32 $0x9;
	_ =	strace $0x80000048  }
0xb2: {  	_ =	swait.ge [sflag:s29], $0x1  }
0xb3: {  	[sflag:s29] =	ssyncadd.s32 $0xFFFFFFFF  }
0xb4: {  	_ =	strace $0x90000048  }
0xb5: {  	_ =	sfence  }
0xb6: {  	s30 =	sld [smem:$0x0];
	_ =	sdelay $0x2  }
0xb7: {  	s31 =	sshll.u32 s1, $0xD;
	s1 =	sshrl.u32 s1, $0x2  }
0xb8: {  	s3 =	sand.u32 $0x4000, s31;
	s1 =	sadd.s32 s1, s30  }
0xb9: {  	s0 =	sor.u32 s3, s0;
	s1 =	sshll.u32 s1, $0x11  }
0xba: {  	s0 =	sor.u32 s1, s0  }
0xbb: {  	s0 =	sadd.s32 $0x8F2B, s0  }
0xbc: {  	[sflag:s0] =	ssyncadd.remote.s32 $0x1  }
0xbd: {  	_ =	sfence.sel $0xFFFF  }
0xbe: {  	[dreg:$0x0] =	wrdreg $0xFFFFFFFF;
	(pc) =	sbr.abs _section_cstart, $3  }
0xbf: {  	[dreg:$0x1] =	wrdreg $0xFFFFFFFF  }
0xc0: {  	_ =	task.clear_ibuf [dreg:s6], $0x2FFFF;
	_ =	strace $0x9FFFFFFF  }
0xc1: {  	(tm) =	ssettm $0x7FFFFFFF  }
tec
execute0_lowered:
.L_overlay_start_1:
0x0: {  	(tag) =	ssettag $0x1  }
0x1: {  	s1 =	srdreg.scid  }
0x2: {  	s0 =	stileid.u32;
	s3 =	rddreg [dreg:$0x0]  }
0x3: {  	s2 =	simm.s32 $0x0;
	s8 =	simm.s32 $0x2;
	s9 =	simm.s32 $0x0  }
0x4: {  	s4 =	sand.u32 $0x1, s1;
	s5 =	sshll.u32 s0, $0x1;
	s1 =	rddreg [dreg:$0x1]  }
0x5: {  	[smem:$0x7FF] =	sst s2;
	s5 =	sor.u32 s4, s5;
	s4 =	ssub.s32 $0x2, s4  }
0x6: {  	s6 =	smul.u32 $0xF44, s5;
	s5 =	sshll.u32 s5, $0x4;
	s7 =	sshrl.u32 s4, $0x1  }
0x7: {  	_ =	strace $0x80000047;
	s5 =	sadd.s32 s5, s3;
	s7 =	ssub.s32 s4, s7  }
0x8: {  	s6 =	sadd.s32 s6, s3;
	s4 =	sadd.s32 $0x1F800, s5;
	s5 =	smax.u32 s7, $0x1  }
0x9: {  	s7 =	simm.s32 $0x7A80;
	s3 =	sadd.s32 $0xE00, s6;
	s6 =	simm.s32 $0x1  }
.LBB2_1:
0xa: {  	[tilespmem:s2], [sflag:$0x1] =	stream.linear.gather [hbm4b:s3+s2], $0x7A20, $0x38;
	[tilespmem:$0x7B00] =	vst v63  }
0xb: {  	_ =	swait.ge [sflag:s6], $0x7A20  }
0xc: {  	[sflag:s6] =	ssyncset.done $0x0  }
0xd: {  	s10 =	simm.s32 $0x0;
	[sflag:s6] =	ssyncadd.s32 $0xFFFF85E0  }
0xe: {  	v0 =	vld [tilespmem:s10+$0xC0]  }
0xf: {  	v1 =	vld [tilespmem:s10+$0xD0]  }
0x10: {  	v2 =	vld [tilespmem:s10+$0x80]  }
0x11: {  	v3 =	vld [tilespmem:s10+$0x90]  }
0x12: {  	v4 =	vld [tilespmem:s10+$0x40]  }
0x13: {  	v5 =	vld [tilespmem:s10+$0x50]  }
0x14: {  	v10 =	vld [tilespmem:s10+$0x0]  }
0x15: {  	v6 =	vimm.f32 $0.0e+00;
	v12 =	vld [tilespmem:s10+$0x10]  }
0x16: {  	s11 =	simm.s32 $0x400;
	v8 =	vimm.f32 $0.0e+00;
	v9 =	vimm.f32 $0.0e+00;
	v7 =	vimm.f32 $0.0e+00;
	v11 =	vld [tilespmem:s10+$0x20]  }
.LBB2_2:
0x17: {  	p0 =	sne.s32 s11, $0x1E400;
	v13 =	vld [tilespmem:s10+$0x30]  }
0x18: {  	v14 =	vld [tilespmem:s10+$0x60]  }
0x19: {  	v15 =	vld [tilespmem:s10+$0x70]  }
0x1a: {  	v16 =	vld [tilespmem:s10+$0xA0]  }
0x1b: {  	v6 =	vadd.f32 v10, v6;
	v8 =	vadd.f32 v12, v8;
	v10 =	vld [tilespmem:s10+$0xB0]  }
0x1c: {  	v9 =	vadd.f32 v11, v9;
	v7 =	vadd.f32 v13, v7;
	v11 =	vld [tilespmem:s10+$0xE0]  }
0x1d: {  	v4 =	vadd.f32 v4, v6;
	v5 =	vadd.f32 v5, v8;
	v12 =	vld [tilespmem:s10+$0xF0];
	s10 =	sshra.s32 s11, $0x2  }
0x1e: {  	v6 =	vadd.f32 v14, v9;
	v13 =	vld [tilespmem:s10+$0xC0];
	v7 =	vadd.f32 v15, v7  }
0x1f: {  	v4 =	vadd.f32 v2, v4;
	v5 =	vadd.f32 v3, v5;
	v14 =	vld [tilespmem:s10+$0xD0]  }
0x20: {  	v9 =	vadd.f32 v16, v6;
	v2 =	vld [tilespmem:s10+$0x80];
	v7 =	vadd.f32 v10, v7  }
0x21: {  	v6 =	vadd.f32 v0, v4;
	v8 =	vadd.f32 v1, v5;
	v3 =	vld [tilespmem:s10+$0x90]  }
.Ltmp0:
0x22: {  	v9 =	vadd.f32 v11, v9;
	v4 =	vld [tilespmem:s10+$0x40];
	v7 =	vadd.f32 v12, v7;
	(pc) =	sbr.rel @p0 .LBB2_2-.Ltmp0, $4  }
0x23: {  	v5 =	vld [tilespmem:s10+$0x50];
	v0 =	vmov v13  }
0x24: {  	v10 =	vld [tilespmem:s10+$0x0];
	v1 =	vmov v14  }
0x25: {  	v12 =	vld [tilespmem:s10+$0x10]  }
0x26: {  	s11 =	sadd.s32 $0x400, s11;
	v11 =	vld [tilespmem:s10+$0x20]  }
0x27: {  	v13 =	vld [tilespmem:s10+$0x30]  }
0x28: {  	v14 =	vld [tilespmem:s10+$0x60]  }
0x29: {  	v15 =	vld [tilespmem:s10+$0x70]  }
0x2a: {  	v16 =	vld [tilespmem:s10+$0xA0];
	v6 =	vadd.f32 v10, v6;
	v8 =	vadd.f32 v12, v8  }
0x2b: {  	v9 =	vadd.f32 v11, v9  }
0x2c: {  	v53 =	vld [tilespmem:s10+$0xB0];
	v4 =	vadd.f32 v4, v6;
	v5 =	vadd.f32 v5, v8  }
0x2d: {  	v55 =	vld [tilespmem:s10+$0xE0];
	v54 =	vadd.f32 v13, v7;
	v56 =	vadd.f32 v14, v9  }
0x2e: {  	v2 =	vadd.f32 v2, v4;
	v3 =	vadd.f32 v3, v5  }
0x2f: {  	v57 =	vld [tilespmem:s10+$0xF0];
	v58 =	vadd.f32 v15, v54;
	v59 =	vadd.f32 v16, v56  }
0x30: {  	v0 =	vadd.f32 v0, v2;
	v1 =	vadd.f32 v1, v3  }
0x31: {  	v60 =	vadd.f32 v53, v58  }
0x32: {  	v61 =	vadd.f32 v55, v59;
	v0 =	vadd.f32 v1, v0  }
0x33: {  	v62 =	vld [tilespmem:$0x7A00]  }
0x34: {  	v2 =	vadd.f32 v57, v60;
	v0 =	vadd.f32 v61, v0  }
0x35: {  	v63 =	vld [tilespmem:$0x7A10]  }
0x36: {  	v0 =	vadd.f32 v2, v0;
	_ =	sdelay $0x1  }
0x37: {  	v0 =	vadd.f32 v62, v0;
	_ =	sdelay $0x1  }
0x38: {  	s9 =	sadd.s32 $0x1, s9;
	v0 =	vadd.f32 v63, v0  }
0x39: {  	p0 =	sne.s32 s9, s5  }
.Ltmp1:
0x3a: {  	[tilespmem:$0x7A80] =	vst v0;
	(pc) =	sbr.rel @p0 .LBB2_1-.Ltmp1, $4  }
0x3b: {  	[hbm4b:s4+s2] =	stream.linear.scatter [tilespmem:s7], [sflag:$0x2], $0x80, $0x38;
	[tilespmem:$0x7B00] =	vst v63  }
0x3c: {  	_ =	swait.ge [sflag:s8], $0x80  }
0x3d: {  	[sflag:s8] =	ssyncset.done $0x0  }
0x3e: {  	[sflag:s8] =	ssyncadd.s32 $0xFFFFFF80  }
0x3f: {  	_ =	sfence.sel $0x180000  }
0x40: {  	[bflag:$0x0] =	sbarrier.arrive $0xFFFF  }
0x41: {  	p0 =	sne.s32 s0, $0x0;
	_ =	strace $0x90000047  }
0x42: {  	s0 =	sadd.s32 @!p0 $0x100000, s1;
	[bflag:$0x2] =	sbarrier.arrive $0xFFFF  }
0x43: {  	[sflag:s0] =	ssyncadd.tile.s32 @!p0 $0x1;
	_ =	shalt  }
.Lfunc_end2:
_tile_overlayer_lowered:
.L_overlay_start_2:
0x44: {  	(tag) =	ssettag $0x2  }
0x45: {  	s0 =	rddreg [dreg:$0x0];
	s2 =	stileid.u32  }
0x46: {  	s1 =	rddreg [dreg:$0x1];
	p0 =	sne.s32 s2, $0x0  }
0x47: {  	s3 =	rddreg [dreg:$0x2];
	[bflag:$0x3] =	sbarrier.arrive $0xFFFF;
	s2 =	simm.s32 @!p0 $0x1C02  }
0x48: {  	[timem:s3], [sflag:s2] =	dma.local @!p0 [hbm:s0], s1  }
0x49: {  	s0 =	simm.s32 @!p0 $0x2  }
0x4a: {  	_ =	swait.ge @!p0 [sflag:s0], s1  }
0x4b: {  	s1 =	ssub.s32 @!p0 $0x0, s1;
	[sflag:s0] =	ssyncset.done @!p0 $0x0  }
0x4c: {  	[sflag:s0] =	ssyncadd.s32 @!p0 s1  }
0x4d: {  	[bflag:$0x3] =	sbarrier.arrive $0xFFFF  }
0x4e: {  	_ =	shalt  }

// kernel: kernel.7.cloned.1.call-start
scs
__scs_entry_jumppad:
0x0: {  	(pc) =	sbr.rel $0x88, $3  }
0x1: {  	(tag) =	ssettag $0x0;
	lr =	simm.s32 $0x1  }
0x2: {  	[smem:$0x3F9E] =	sst lr;
	_ =	strace $0xD0000000  }
0x3: {  	_ = 	snop  }
0x4: {  	_ = 	snop  }
0x5: {  	_ = 	snop  }
0x6: {  	_ = 	snop  }
0x7: {  	_ = 	snop  }
__scs_overlays_trampoline_lowered:
0x8: {  	[smem:$0x3FAD] =	sst s0  }
0x9: {  	[smem:$0x3FAE] =	sst s1  }
0xa: {  	[smem:$0x3FAF] =	sst s2  }
0xb: {  	[smem:$0x3FB0] =	sst s3  }
0xc: {  	[smem:$0x3FB1] =	sst s4  }
0xd: {  	[smem:$0x3FB2] =	sst s5  }
0xe: {  	[smem:$0x3FB3] =	sst s6  }
0xf: {  	[smem:$0x3FB4] =	sst s7  }
0x10: {  	[smem:$0x3FB5] =	sst s8  }
0x11: {  	[smem:$0x3FB6] =	sst s9;
	s0 =	simm.s32 @!p0 $0x0  }
0x12: {  	s1 =	sld [smem:$0x3F9C];
	s0 =	simm.s32 @p0 $0x1  }
0x13: {  	[smem:$0x3FB7] =	sst s0;
	s0 =	simm.s32 @!p1 $0x0  }
0x14: {  	s2 =	sld [smem:$0x3F9B];
	s0 =	simm.s32 @p1 $0x1  }
0x15: {  	[smem:$0x3FB8] =	sst s0;
	s0 =	simm.s32 @!p2 $0x0  }
0x16: {  	s3 =	sld [smem:$0x3FDB];
	s0 =	simm.s32 @p2 $0x1  }
0x17: {  	s4 =	simm.s32 $0x1BF5;
	[smem:$0x3FBA] =	sst s0  }
0x18: {  	s0 =	sld [smem:$0x3F9D];
	_ =	swait.ge [sflag:s4], $0x0  }
0x19: {  	s7 =	sld [smem:$0x3F9E]  }
0x1a: {  	s8 =	sadd.s32 $0xFFFFE003, lr  }
0x1b: {  	s9 =	sadd.s32 $0xFFFFFEF7, lr;
	s5 =	simm.s32 $0xFFFFFFFF;
	p2 =	slt.u32 s8, $0xFFFFF086  }
0x1c: {  	p1 =	slt.u32 s9, $0xF7A;
	s5 =	simm.s32 @!p2 $0x0  }
0x1d: {  	s5 =	simm.s32 @p1 $0x1;
	p0 =	seq.s32 s7, s2  }
0x1e: {  	s7 =	smul.u32 @!p0 $0xF7A, s2;
	p2 =	seq.s32 @!p0 s5, $0x0  }
0x1f: {  	s9 =	smul.u32 $0xF7A, s1;
	s8 =	simm.s32 @!p0 $0x1BF5;
	p2 =	por !p2, p0  }
0x20: {  	[sflag:s8] =	ssyncset.s32 @!p0 $0xFFFFF086;
	s6 =	sadd.s32 @!p0 s3, s7;
	s7 =	simm.s32 @!p0 $0x108  }
0x21: {  	s3 =	sadd.s32 s3, s9;
	s6 =	sadd.s32 @!p0 $0x88, s6;
	s7 =	simm.s32 @p2 $0x1082  }
0x22: {  	[simem:s7], [sflag:s8] =	dma.local @!p0 [hbm:s6], $0xF7A  }
0x23: {  	s9 =	sor.u32 $0xD0000000, s2;
	s6 =	simm.s32 $0x108;
	_ =	swait.ge @!p0 [sflag:s8], $0x0  }
0x24: {  	s3 =	sadd.s32 $0x88, s3;
	s6 =	simm.s32 @!p1 $0x1082;
	[sflag:s4] =	ssyncset.s32 $0xFFFFF086  }
0x25: {  	[simem:s6], [sflag:s4] =	dma.local [hbm:s3], $0xF7A  }
0x26: {  	[smem:$0x3F9E] =	sst s1;
	(tag) =	ssettag s2;
	_ =	strace s9  }
0x27: {  	s1 =	sld [smem:$0x3FAE]  }
0x28: {  	s2 =	sld [smem:$0x3FAF]  }
0x29: {  	s4 =	sld [smem:$0x3FB1]  }
0x2a: {  	p0 =	seq.s32 s5, $0x0;
	s5 =	sld [smem:$0x3FB2]  }
0x2b: {  	s6 =	sld [smem:$0x3FB3]  }
0x2c: {  	s7 =	sld [smem:$0x3FB4]  }
0x2d: {  	s3 =	simm.s32 $0x108;
	s8 =	sld [smem:$0x3FB5]  }
0x2e: {  	s3 =	simm.s32 @!p0 $0x1082;
	s9 =	sld [smem:$0x3FB6]  }
0x2f: {  	lr =	sadd.s32 s0, s3;
	s0 =	sld [smem:$0x3FAD]  }
0x30: {  	s3 =	sld [smem:$0x3FB0]  }
0x31: {  	[smem:$0x3FB9] =	sst s10  }
0x32: {  	s10 =	sld [smem:$0x3FB7];
	_ =	sdelay $0x3  }
0x33: {  	p0 =	seq.s32 s10, $0x1;
	s10 =	sld [smem:$0x3FB9];
	_ =	sdelay $0x3  }
0x34: {  	[smem:$0x3FB9] =	sst s10  }
0x35: {  	s10 =	sld [smem:$0x3FB8];
	_ =	sdelay $0x3  }
0x36: {  	p1 =	seq.s32 s10, $0x1;
	s10 =	sld [smem:$0x3FB9];
	_ =	sdelay $0x3  }
0x37: {  	[smem:$0x3FB9] =	sst s10  }
0x38: {  	s10 =	sld [smem:$0x3FBA]  }
0x39: {  	_ = 	snop;
	(pc) =	sbr.ind lr, $3  }
0x3a: {  	_ = 	snop  }
0x3b: {  	_ = 	snop  }
0x3c: {  	p2 =	seq.s32 s10, $0x1;
	s10 =	sld [smem:$0x3FB9]  }
0x3d: {  	_ =	shalt  }
0x3e: {  	_ =	shalt  }
0x3f: {  	_ =	shalt  }
0x40: {  	_ =	shalt  }
0x41: {  	_ =	shalt  }
0x42: {  	_ =	shalt  }
0x43: {  	_ =	shalt  }
0x44: {  	_ =	shalt  }
0x45: {  	_ =	shalt  }
0x46: {  	_ =	shalt  }
0x47: {  	_ =	shalt  }
0x48: {  	_ =	shalt  }
0x49: {  	_ =	shalt  }
0x4a: {  	_ =	shalt  }
0x4b: {  	_ =	shalt  }
0x4c: {  	_ =	shalt  }
0x4d: {  	_ =	shalt  }
0x4e: {  	_ =	shalt  }
0x4f: {  	_ =	shalt  }
0x50: {  	_ =	shalt  }
0x51: {  	_ =	shalt  }
0x52: {  	_ =	shalt  }
0x53: {  	_ =	shalt  }
0x54: {  	_ =	shalt  }
0x55: {  	_ =	shalt  }
0x56: {  	_ =	shalt  }
0x57: {  	_ =	shalt  }
0x58: {  	_ =	shalt  }
0x59: {  	_ =	shalt  }
0x5a: {  	_ =	shalt  }
0x5b: {  	_ =	shalt  }
0x5c: {  	_ =	shalt  }
0x5d: {  	_ =	shalt  }
0x5e: {  	_ =	shalt  }
0x5f: {  	_ =	shalt  }
0x60: {  	_ =	shalt  }
0x61: {  	_ =	shalt  }
0x62: {  	_ =	shalt  }
0x63: {  	_ =	shalt  }
0x64: {  	_ =	shalt  }
0x65: {  	_ =	shalt  }
0x66: {  	_ =	shalt  }
0x67: {  	_ =	shalt  }
0x68: {  	_ =	shalt  }
0x69: {  	_ =	shalt  }
0x6a: {  	_ =	shalt  }
0x6b: {  	_ =	shalt  }
0x6c: {  	_ =	shalt  }
0x6d: {  	_ =	shalt  }
0x6e: {  	_ =	shalt  }
0x6f: {  	_ =	shalt  }
0x70: {  	_ =	shalt  }
0x71: {  	_ =	shalt  }
0x72: {  	_ =	shalt  }
0x73: {  	_ =	shalt  }
0x74: {  	_ =	shalt  }
0x75: {  	_ =	shalt  }
0x76: {  	_ =	shalt  }
0x77: {  	_ =	shalt  }
0x78: {  	_ =	shalt  }
0x79: {  	_ =	shalt  }
0x7a: {  	_ =	shalt  }
0x7b: {  	_ =	shalt  }
0x7c: {  	_ =	shalt  }
0x7d: {  	_ =	shalt  }
0x7e: {  	_ =	shalt  }
0x7f: {  	_ =	shalt  }
0x80: {  	_ =	shalt  }
0x81: {  	_ =	shalt  }
0x82: {  	_ =	shalt  }
0x83: {  	_ =	shalt  }
0x84: {  	_ =	shalt  }
0x85: {  	_ =	shalt  }
0x86: {  	_ =	shalt  }
0x87: {  	_ =	shalt  }
.Lfunc_end0:
.L_simem_size_0:
called_computation.1_lowered:
.L_overlay_start_0:
0x88: {  	s2 =	sld [smem:$0x3FD9]  }
0x89: {  	s3 =	sld [smem:$0x3FFE];
	_ =	sdelay $0x1  }
0x8a: {  	s1 =	srdreg.scid  }
0x8b: {  	s0 =	sand.u32 $0x1, s1  }
0x8c: {  	s17 =	sshll.u32 s0, $0xA;
	s2 =	sadd.s32 s3, s2  }
0x8d: {  	s2 =	sadd.s32 s2, s17  }
0x8e: {  	[smem:$0x3FC5] =	sst s2  }
0x8f: {  	_ = 	snop  }
0x90: {  	s2 =	sld [smem:$0x3FD0];
	(tm) =	ssettm $0x1  }
0x91: {  	s18 =	sld [smem:$0x3FFB];
	_ =	sdelay $0x3  }
0x92: {  	_ =	strace s18  }
0x93: {  	s3 =	sld [smem:$0x3FFC];
	_ =	sdelay $0x3  }
0x94: {  	_ =	strace s3  }
0x95: {  	s3 =	sld [smem:$0x3FFD];
	_ =	sdelay $0x3  }
0x96: {  	_ =	strace s3  }
0x97: {  	_ =	strace $0x8FFFFFFF  }
0x98: {  	s19 =	sld [smem:$0x3FDB];
	_ =	sdelay $0x1  }
0x99: {  	s4 =	simm.s32 $_scs_section_size  }
0x9a: {  	s5 =	simm.s32 $_size__tile_overlayer_lowered;
	s6 =	simm.s32 $_tile_overlayer_lowered  }
0x9b: {  	s22 =	simm.s32 $0x1BFF;
	s21 =	sshll.u32 s6, $0x1;
	s3 =	sadd.s32 s4, s19  }
0x9c: {  	s7 =	simm.s32 $0x0;
	s20 =	sshll.u32 s5, $0x1;
	s5 =	sadd.s32 s21, s3  }
0x9d: {  	[timem:s7], [sflag:s22] =	dma.local [hbm:s5], s20  }
0x9e: {  	_ =	swait.ge [sflag:s22], s20  }
0x9f: {  	s4 =	ssub.s32 $0x0, s20;
	[sflag:s22] =	ssyncset.done $0x0  }
0xa0: {  	[sflag:s22] =	ssyncadd.s32 s4;
	_ =	sdelay $0x1  }
0xa1: {  	s23 =	simm.s32 $0x1B8B  }
0xa2: {  	_ =	swait.ge [sflag:s23], $0x1  }
0xa3: {  	[sflag:s23] =	ssyncset.done $0x0  }
0xa4: {  	s25 =	simm.s32 $0x1B8E;
	s24 =	sld [smem:$0x3FFE];
	[sflag:s23] =	ssyncadd.s32 $0xFFFFFFFF  }
0xa5: {  	s26 =	simm.s32 $execute0_lowered;
	[smem:$0x3FD2] =	sst s25  }
0xa6: {  	s5 =	sshll.u32 s26, $0x1;
	_ =	strace $0x80000049;
	[dreg:$0x1] =	wrdreg $0xFFFFFFFF  }
0xa7: {  	s28 =	simm.s32 $_size_execute0_lowered;
	s3 =	sadd.s32 s3, s5;
	[dreg:$0x0] =	wrdreg $0x0  }
0xa8: {  	s5 =	sshll.u32 s28, $0x1;
	[dreg:$0x2] =	wrdreg s3  }
0xa9: {  	[dreg:$0x3] =	wrdreg s5  }
0xaa: {  	[dreg:$0x4] =	wrdreg $0xC0  }
0xab: {  	_ =	task [dreg:s7], $0x5FFFF  }
0xac: {  	[dreg:$0x1] =	wrdreg $0xFFFFFFFF  }
0xad: {  	[dreg:$0x0] =	wrdreg $0x60  }
0xae: {  	[dreg:$0x2] =	wrdreg s24  }
0xaf: {  	[dreg:$0x3] =	wrdreg s2  }
0xb0: {  	[dreg:$0x4] =	wrdreg $0x9  }
0xb1: {  	_ =	task.clear_ibuf [dreg:s7], $0x5FFFF;
	_ =	strace $0x90000049  }
0xb2: {  	s29 =	simm.s32 $0x9;
	_ =	strace $0x8000004B  }
0xb3: {  	_ =	swait.ge [sflag:s29], $0x1  }
0xb4: {  	[sflag:s29] =	ssyncadd.s32 $0xFFFFFFFF  }
0xb5: {  	_ =	strace $0x9000004B  }
0xb6: {  	_ =	sfence  }
0xb7: {  	s30 =	sld [smem:$0x0];
	_ =	sdelay $0x2  }
0xb8: {  	s31 =	sshll.u32 s1, $0xD;
	s1 =	sshrl.u32 s1, $0x2  }
0xb9: {  	s3 =	sand.u32 $0x4000, s31;
	s1 =	sadd.s32 s1, s30  }
0xba: {  	s0 =	sor.u32 s3, s0;
	s1 =	sshll.u32 s1, $0x11  }
0xbb: {  	s0 =	sor.u32 s1, s0  }
0xbc: {  	s0 =	sadd.s32 $0x8F2B, s0  }
0xbd: {  	[sflag:s0] =	ssyncadd.remote.s32 $0x1  }
0xbe: {  	_ =	sfence.sel $0xFFFF  }
0xbf: {  	[dreg:$0x0] =	wrdreg $0xFFFFFFFF;
	(pc) =	sbr.abs _section_cstart, $3  }
0xc0: {  	[dreg:$0x1] =	wrdreg $0xFFFFFFFF  }
0xc1: {  	_ =	task.clear_ibuf [dreg:s7], $0x2FFFF;
	_ =	strace $0x9FFFFFFF  }
0xc2: {  	(tm) =	ssettm $0x7FFFFFFF  }
0xc3: {  	_ =	shalt  }
tec
execute0_lowered:
.L_overlay_start_1:
0x0: {  	(tag) =	ssettag $0x1  }
0x1: {  	s4 =	rddreg [dreg:$0x0]  }
0x2: {  	s3 =	rddreg [dreg:$0x1];
	s2 =	srdreg.scid  }
0x3: {  	s0 =	rddreg [dreg:$0x2];
	s5 =	sand.u32 $0x1, s2;
	s2 =	simm.s32 $0x0  }
0x4: {  	s8 =	sadd.s32 $0x1F800, s4;
	[smem:$0x7FF] =	sst s2  }
0x5: {  	s10 =	simm.s32 $0xE00;
	_ =	strace $0x8000004A;
	[dreg:$0x3] =	wrdreg s8  }
0x6: {  	s11 =	simm.s32 $0x600;
	[dreg:$0x8] =	wrdreg s10  }
0x7: {  	s12 =	simm.s32 $0x800;
	[dreg:$0x9] =	wrdreg s11  }
0x8: {  	s13 =	simm.s32 $0xA00;
	[dreg:$0xa] =	wrdreg s12  }
0x9: {  	s14 =	simm.s32 $0x680;
	[dreg:$0xb] =	wrdreg s13  }
0xa: {  	s15 =	simm.s32 $0x280;
	[dreg:$0xc] =	wrdreg s14  }
0xb: {  	s16 =	simm.s32 $0x880;
	[dreg:$0xd] =	wrdreg s15  }
0xc: {  	s17 =	simm.s32 $0x480;
	[dreg:$0xe] =	wrdreg s16  }
0xd: {  	s18 =	simm.s32 $0xA80;
	[dreg:$0xf] =	wrdreg s17  }
0xe: {  	s19 =	simm.s32 $0x100;
	[dreg:$0x10] =	wrdreg s18  }
0xf: {  	s20 =	simm.s32 $0x700;
	[dreg:$0x11] =	wrdreg s19  }
0x10: {  	s21 =	simm.s32 $0x300;
	[dreg:$0x12] =	wrdreg s20  }
0x11: {  	s22 =	simm.s32 $0x900;
	[dreg:$0x13] =	wrdreg s21  }
0x12: {  	s23 =	simm.s32 $0x500;
	[dreg:$0x14] =	wrdreg s22  }
0x13: {  	s24 =	simm.s32 $0xB00;
	[dreg:$0x15] =	wrdreg s23  }
0x14: {  	s1 =	stileid.u32;
	s25 =	simm.s32 $0x180;
	[dreg:$0x16] =	wrdreg s24  }
0x15: {  	s28 =	simm.s32 $0x780;
	s29 =	simm.s32 $0x380;
	[dreg:$0x17] =	wrdreg s25  }
0x16: {  	s30 =	simm.s32 $0x980;
	s6 =	sshll.u32 s1, $0x7;
	[dreg:$0x18] =	wrdreg s28  }
0x17: {  	s7 =	sshll.u32 s5, $0x6;
	s5 =	ssub.s32 $0x2, s5;
	[dreg:$0x19] =	wrdreg s29  }
0x18: {  	s6 =	sor.u32 s7, s6;
	s26 =	sshrl.u32 s5, $0x1;
	[dreg:$0x1a] =	wrdreg s30  }
0x19: {  	s10 =	simm.s32 $0xB80;
	s8 =	simm.s32 $0x400;
	s11 =	simm.s32 $0x1  }
0x1a: {  	s14 =	simm.s32 $0xC00;
	s12 =	simm.s32 $0x2;
	s13 =	simm.s32 $0x3  }
0x1b: {  	s7 =	sadd.s32 s6, s4;
	s3 =	sadd.s32 s3, s6;
	[dreg:$0x1c] =	wrdreg s10  }
0x1c: {  	s5 =	ssub.s32 s5, s26;
	s6 =	simm.s32 $0x5;
	[dreg:$0x1d] =	wrdreg s14  }
0x1d: {  	s10 =	simm.s32 $0x4;
	s31 =	sadd.s32 $0x3F400, s7;
	[dreg:$0x7] =	wrdreg s3  }
0x1e: {  	s9 =	sadd.s32 $0x3EC00, s7;
	s7 =	sadd.s32 $0x3E400, s7;
	[dreg:$0x4] =	wrdreg s31  }
0x1f: {  	s3 =	sadd.s32 $0x1FA00, s4;
	s4 =	sadd.s32 $0xE00, s4;
	[dreg:$0x5] =	wrdreg s9  }
0x20: {  	s5 =	smax.u32 s5, $0x1;
	[dreg:$0x6] =	wrdreg s7;
	s31 =	simm.s32 $0x580  }
0x21: {  	s7 =	simm.s32 $0x200;
	s9 =	simm.s32 $0x80;
	[dreg:$0x1b] =	wrdreg s31  }
.LBB2_1:
0x22: {  	s14 =	rddreg [dreg:$0x3]  }
0x23: {  	s15 =	rddreg [dreg:$0x8]  }
0x24: {  	[tilespmem:s15], [sflag:$0x4] =	stream.linear.gather [hbm4b:s14+s2], $0x1000, $0x38;
	[tilespmem:$0x1E00] =	vst v63  }
0x25: {  	s16 =	rddreg [dreg:$0x4]  }
0x26: {  	[tilespmem:s2], [sflag:$0x5] =	stream.linear.gather [hbm4b:s16+s2], $0x200, $0x38;
	[tilespmem:$0x1E00] =	vst v63  }
0x27: {  	_ =	swait.ge [sflag:s6], $0x200  }
0x28: {  	[sflag:s6] =	ssyncset.done $0x0  }
0x29: {  	s22 =	rddreg [dreg:$0x5];
	[sflag:s6] =	ssyncadd.s32 $0xFFFFFE00  }
0x2a: {  	[tilespmem:s7], [sflag:$0x5] =	stream.linear.gather [hbm4b:s22+s2], $0x200, $0x38;
	[tilespmem:$0x1E00] =	vst v63  }
0x2b: {  	_ =	swait.ge [sflag:s6], $0x200  }
0x2c: {  	[sflag:s6] =	ssyncset.done $0x0  }
0x2d: {  	s23 =	rddreg [dreg:$0x6];
	[sflag:s6] =	ssyncadd.s32 $0xFFFFFE00  }
0x2e: {  	[tilespmem:s8], [sflag:$0x5] =	stream.linear.gather [hbm4b:s23+s2], $0x200, $0x38;
	[tilespmem:$0x1E00] =	vst v63  }
0x2f: {  	_ =	swait.ge [sflag:s6], $0x200  }
0x30: {  	s24 =	rddreg [dreg:$0x9]  }
0x31: {  	s25 =	rddreg [dreg:$0xa]  }
0x32: {  	s26 =	rddreg [dreg:$0xb]  }
0x33: {  	s28 =	rddreg [dreg:$0xc]  }
0x34: {  	s29 =	rddreg [dreg:$0xd]  }
0x35: {  	s30 =	rddreg [dreg:$0xe]  }
0x36: {  	s31 =	rddreg [dreg:$0xf]  }
0x37: {  	[sflag:s6] =	ssyncset.done $0x0;
	s17 =	rddreg [dreg:$0x10]  }
0x38: {  	s16 =	rddreg [dreg:$0x11];
	[sflag:s6] =	ssyncadd.s32 $0xFFFFFE00  }
0x39: {  	[tilespmem:s24], [sflag:$0x1] =	stream.indirect.gather [hbm4b:s3+s9], $0x1, s2, s9, $0xb8;
	[tilespmem:$0x1E00] =	vst v63  }
0x3a: {  	s18 =	rddreg [dreg:$0x13]  }
0x3b: {  	[tilespmem:s25], [sflag:$0x2] =	stream.indirect.gather [hbm4b:s3+s9], $0x1, s7, s9, $0xb8;
	[tilespmem:$0x1E00] =	vst v63  }
0x3c: {  	s19 =	rddreg [dreg:$0x14]  }
0x3d: {  	[tilespmem:s26], [sflag:$0x3] =	stream.indirect.gather [hbm4b:s4+s9], $0x1, s8, s9, $0xb8;
	[tilespmem:$0x1E00] =	vst v63  }
0x3e: {  	s20 =	rddreg [dreg:$0x15]  }
0x3f: {  	[tilespmem:s28], [sflag:$0x1] =	stream.indirect.gather [hbm4b:s3+s9], $0x1, s9, s9, $0xb8;
	[tilespmem:$0x1E00] =	vst v63  }
0x40: {  	s21 =	rddreg [dreg:$0x16]  }
0x41: {  	[tilespmem:s30], [sflag:$0x2] =	stream.indirect.gather [hbm4b:s3+s9], $0x1, s29, s9, $0xb8;
	[tilespmem:$0x1E00] =	vst v63  }
0x42: {  	s22 =	rddreg [dreg:$0x17]  }
0x43: {  	[tilespmem:s17], [sflag:$0x3] =	stream.indirect.gather [hbm4b:s4+s9], $0x1, s31, s9, $0xb8;
	[tilespmem:$0x1E00] =	vst v63  }
0x44: {  	s17 =	rddreg [dreg:$0x12]  }
0x45: {  	[tilespmem:s17], [sflag:$0x1] =	stream.indirect.gather [hbm4b:s3+s9], $0x1, s16, s9, $0xb8;
	[tilespmem:$0x1E00] =	vst v63  }
0x46: {  	s23 =	rddreg [dreg:$0x18]  }
0x47: {  	[tilespmem:s19], [sflag:$0x2] =	stream.indirect.gather [hbm4b:s3+s9], $0x1, s18, s9, $0xb8;
	[tilespmem:$0x1E00] =	vst v63  }
0x48: {  	s24 =	rddreg [dreg:$0x19]  }
0x49: {  	[tilespmem:s21], [sflag:$0x3] =	stream.indirect.gather [hbm4b:s4+s9], $0x1, s20, s9, $0xb8;
	[tilespmem:$0x1E00] =	vst v63  }
0x4a: {  	s25 =	rddreg [dreg:$0x1a]  }
0x4b: {  	[tilespmem:s23], [sflag:$0x1] =	stream.indirect.gather [hbm4b:s3+s9], $0x1, s22, s9, $0xb8;
	[tilespmem:$0x1E00] =	vst v63  }
0x4c: {  	s26 =	rddreg [dreg:$0x1b]  }
0x4d: {  	[tilespmem:s25], [sflag:$0x2] =	stream.indirect.gather [hbm4b:s3+s9], $0x1, s24, s9, $0xb8;
	[tilespmem:$0x1E00] =	vst v63  }
0x4e: {  	s28 =	rddreg [dreg:$0x1c]  }
0x4f: {  	[tilespmem:s28], [sflag:$0x3] =	stream.indirect.gather [hbm4b:s4+s9], $0x1, s26, s9, $0xb8;
	[tilespmem:$0x1E00] =	vst v63  }
0x50: {  	_ =	swait.ge [sflag:s10], $0x1000  }
0x51: {  	[sflag:s10] =	ssyncset.done $0x0  }
0x52: {  	[sflag:s10] =	ssyncadd.s32 $0xFFFFF000  }
0x53: {  	v0 =	vld [tilespmem:$0xE00]  }
0x54: {  	v1 =	vld [tilespmem:$0xE80];
	_ =	sdelay $0x1  }
0x55: {  	v2 =	vld [tilespmem:$0xF00];
	_ =	sdelay $0x1  }
0x56: {  	v3 =	vld [tilespmem:$0xF80]  }
0x57: {  	v0 =	vadd.f32 v1, v0  }
0x58: {  	v32 =	vld [tilespmem:$0x1000]  }
0x59: {  	v0 =	vadd.f32 v2, v0  }
0x5a: {  	v33 =	vld [tilespmem:$0x1080]  }
0x5b: {  	v0 =	vadd.f32 v3, v0  }
0x5c: {  	v34 =	vld [tilespmem:$0x1100]  }
0x5d: {  	v0 =	vadd.f32 v32, v0  }
0x5e: {  	v35 =	vld [tilespmem:$0x1180]  }
0x5f: {  	v0 =	vadd.f32 v33, v0  }
0x60: {  	v36 =	vld [tilespmem:$0x1200]  }
0x61: {  	v0 =	vadd.f32 v34, v0  }
0x62: {  	v37 =	vld [tilespmem:$0x1280]  }
0x63: {  	v0 =	vadd.f32 v35, v0  }
0x64: {  	v38 =	vld [tilespmem:$0x1300]  }
0x65: {  	v0 =	vadd.f32 v36, v0  }
0x66: {  	v39 =	vld [tilespmem:$0x1380]  }
0x67: {  	v0 =	vadd.f32 v37, v0  }
0x68: {  	v40 =	vld [tilespmem:$0x1400]  }
0x69: {  	v0 =	vadd.f32 v38, v0  }
0x6a: {  	v41 =	vld [tilespmem:$0x1480]  }
0x6b: {  	v0 =	vadd.f32 v39, v0  }
0x6c: {  	v42 =	vld [tilespmem:$0x1500]  }
0x6d: {  	v0 =	vadd.f32 v40, v0  }
0x6e: {  	v43 =	vld [tilespmem:$0x1580]  }
0x6f: {  	v0 =	vadd.f32 v41, v0  }
0x70: {  	v44 =	vld [tilespmem:$0x1600]  }
0x71: {  	v0 =	vadd.f32 v42, v0  }
0x72: {  	v45 =	vld [tilespmem:$0x1680]  }
0x73: {  	v0 =	vadd.f32 v43, v0  }
0x74: {  	v46 =	vld [tilespmem:$0x1700]  }
0x75: {  	v0 =	vadd.f32 v44, v0  }
0x76: {  	v47 =	vld [tilespmem:$0x1780]  }
0x77: {  	v0 =	vadd.f32 v45, v0  }
0x78: {  	v48 =	vld [tilespmem:$0x1800]  }
0x79: {  	v0 =	vadd.f32 v46, v0  }
0x7a: {  	v49 =	vld [tilespmem:$0x1880]  }
0x7b: {  	v0 =	vadd.f32 v47, v0  }
0x7c: {  	v50 =	vld [tilespmem:$0x1900]  }
0x7d: {  	v0 =	vadd.f32 v48, v0  }
0x7e: {  	v51 =	vld [tilespmem:$0x1980]  }
0x7f: {  	v0 =	vadd.f32 v49, v0  }
0x80: {  	v52 =	vld [tilespmem:$0x1A00]  }
0x81: {  	v0 =	vadd.f32 v50, v0  }
0x82: {  	v53 =	vld [tilespmem:$0x1A80]  }
0x83: {  	v0 =	vadd.f32 v51, v0  }
0x84: {  	v54 =	vld [tilespmem:$0x1B00]  }
0x85: {  	v0 =	vadd.f32 v52, v0  }
0x86: {  	v55 =	vld [tilespmem:$0x1B80]  }
0x87: {  	v0 =	vadd.f32 v53, v0  }
0x88: {  	v56 =	vld [tilespmem:$0x1C00]  }
0x89: {  	v0 =	vadd.f32 v54, v0  }
0x8a: {  	v57 =	vld [tilespmem:$0x1C80]  }
0x8b: {  	v0 =	vadd.f32 v55, v0  }
0x8c: {  	v58 =	vld [tilespmem:$0x1D00]  }
0x8d: {  	v0 =	vadd.f32 v56, v0  }
0x8e: {  	v59 =	vld [tilespmem:$0x1D80]  }
0x8f: {  	v0 =	vadd.f32 v57, v0;
	_ =	sdelay $0x1  }
0x90: {  	v0 =	vadd.f32 v58, v0;
	_ =	sdelay $0x1  }
0x91: {  	v0 =	vadd.f32 v59, v0;
	_ =	sdelay $0x1  }
0x92: {  	(v2sf) =	vpush v0, $0x0  }
0x93: {  	(v2sf) =	vpush v0, $0x1;
	_ =	sdelay $0x1  }
0x94: {  	(v2sf) =	vpush v0, $0x2;
	_ =	sdelay $0x1  }
0x95: {  	(v2sf) =	vpush v0, $0x3;
	_ =	sdelay $0x1  }
0x96: {  	(v2sf) =	vpush v0, $0x4;
	_ =	sdelay $0x1  }
0x97: {  	(v2sf) =	vpush v0, $0x5;
	_ =	sdelay $0x1  }
0x98: {  	(v2sf) =	vpush v0, $0x6;
	_ =	sdelay $0x1  }
0x99: {  	(v2sf) =	vpush v0, $0x7;
	_ =	sdelay $0x1  }
0x9a: {  	s29 =	spop (v2sf);
	(v2sf) =	vpush v0, $0x8  }
0x9b: {  	s30 =	spop (v2sf)  }
0x9c: {  	(v2sf) =	vpush v0, $0x9;
	s14 =	sadd.f32 s30, s29  }
0x9d: {  	s31 =	spop (v2sf)  }
0x9e: {  	(v2sf) =	vpush v0, $0xA;
	s14 =	sadd.f32 s14, s31  }
0x9f: {  	s16 =	spop (v2sf)  }
0xa0: {  	(v2sf) =	vpush v0, $0xB;
	s14 =	sadd.f32 s14, s16  }
0xa1: {  	s17 =	spop (v2sf)  }
0xa2: {  	(v2sf) =	vpush v0, $0xC;
	s14 =	sadd.f32 s14, s17  }
0xa3: {  	s18 =	spop (v2sf)  }
0xa4: {  	(v2sf) =	vpush v0, $0xD;
	s14 =	sadd.f32 s14, s18  }
0xa5: {  	s19 =	spop (v2sf)  }
0xa6: {  	(v2sf) =	vpush v0, $0xE;
	s14 =	sadd.f32 s14, s19  }
0xa7: {  	s20 =	spop (v2sf)  }
0xa8: {  	(v2sf) =	vpush v0, $0xF;
	s14 =	sadd.f32 s14, s20  }
0xa9: {  	s21 =	spop (v2sf)  }
0xaa: {  	s14 =	sadd.f32 s14, s21  }
0xab: {  	s22 =	spop (v2sf)  }
0xac: {  	s14 =	sadd.f32 s14, s22  }
0xad: {  	s23 =	spop (v2sf)  }
0xae: {  	s14 =	sadd.f32 s14, s23  }
0xaf: {  	s24 =	spop (v2sf)  }
0xb0: {  	s14 =	sadd.f32 s14, s24  }
0xb1: {  	s25 =	spop (v2sf)  }
0xb2: {  	s14 =	sadd.f32 s14, s25  }
0xb3: {  	s26 =	spop (v2sf)  }
0xb4: {  	s14 =	sadd.f32 s14, s26  }
0xb5: {  	s28 =	spop (v2sf)  }
0xb6: {  	s14 =	sadd.f32 s14, s28  }
0xb7: {  	s29 =	spop (v2sf)  }
0xb8: {  	s14 =	sadd.f32 s14, s29;
	_ =	sdelay $0x1  }
0xb9: {  	v60 =	vmov s14  }
0xba: {  	(erf) = vrcp.f32 v60;
	_ =	sdelay $0x8  }
0xbb: {  	v0 =	vpop (erf)  }
0xbc: {  	_ =	swait.ge [sflag:s11], $0x80  }
0xbd: {  	[sflag:s11] =	ssyncset.done $0x0  }
0xbe: {  	[sflag:s11] =	ssyncadd.s32 $0xFFFFFF80  }
0xbf: {  	_ =	swait.ge [sflag:s12], $0x80  }
0xc0: {  	[sflag:s12] =	ssyncset.done $0x0  }
0xc1: {  	[sflag:s12] =	ssyncadd.s32 $0xFFFFFF80  }
0xc2: {  	_ =	swait.ge [sflag:s13], $0x80  }
0xc3: {  	[sflag:s13] =	ssyncset.done $0x0  }
0xc4: {  	[sflag:s13] =	ssyncadd.s32 $0xFFFFFF80  }
0xc5: {  	_ =	swait.ge [sflag:s11], $0x80  }
0xc6: {  	[sflag:s11] =	ssyncset.done $0x0  }
0xc7: {  	[sflag:s11] =	ssyncadd.s32 $0xFFFFFF80  }
0xc8: {  	_ =	swait.ge [sflag:s12], $0x80  }
0xc9: {  	[sflag:s12] =	ssyncset.done $0x0  }
0xca: {  	[sflag:s12] =	ssyncadd.s32 $0xFFFFFF80  }
0xcb: {  	_ =	swait.ge [sflag:s13], $0x80  }
0xcc: {  	[sflag:s13] =	ssyncset.done $0x0  }
0xcd: {  	[sflag:s13] =	ssyncadd.s32 $0xFFFFFF80  }
0xce: {  	_ =	swait.ge [sflag:s11], $0x80  }
0xcf: {  	[sflag:s11] =	ssyncset.done $0x0  }
0xd0: {  	[sflag:s11] =	ssyncadd.s32 $0xFFFFFF80  }
0xd1: {  	_ =	swait.ge [sflag:s12], $0x80  }
0xd2: {  	[sflag:s12] =	ssyncset.done $0x0  }
0xd3: {  	[sflag:s12] =	ssyncadd.s32 $0xFFFFFF80  }
0xd4: {  	_ =	swait.ge [sflag:s13], $0x80  }
0xd5: {  	[sflag:s13] =	ssyncset.done $0x0  }
0xd6: {  	[sflag:s13] =	ssyncadd.s32 $0xFFFFFF80  }
0xd7: {  	_ =	swait.ge [sflag:s11], $0x80  }
0xd8: {  	[sflag:s11] =	ssyncset.done $0x0  }
0xd9: {  	[sflag:s11] =	ssyncadd.s32 $0xFFFFFF80  }
0xda: {  	_ =	swait.ge [sflag:s12], $0x80  }
0xdb: {  	[sflag:s12] =	ssyncset.done $0x0  }
0xdc: {  	[sflag:s12] =	ssyncadd.s32 $0xFFFFFF80  }
0xdd: {  	_ =	swait.ge [sflag:s13], $0x80  }
0xde: {  	[sflag:s13] =	ssyncset.done $0x0  }
0xdf: {  	[sflag:s13] =	ssyncadd.s32 $0xFFFFFF80  }
0xe0: {  	v1 =	vld [tilespmem:$0xA00]  }
0xe1: {  	v2 =	vld [tilespmem:$0x600]  }
0xe2: {  	v3 =	vld [tilespmem:$0x800]  }
0xe3: {  	v4 =	vld [tilespmem:$0xA10]  }
0xe4: {  	v5 =	vld [tilespmem:$0x610]  }
0xe5: {  	v6 =	vld [tilespmem:$0x810]  }
0xe6: {  	v7 =	vld [tilespmem:$0xA20]  }
0xe7: {  	v8 =	vld [tilespmem:$0x620]  }
0xe8: {  	v9 =	vld [tilespmem:$0x820]  }
0xe9: {  	v10 =	vld [tilespmem:$0xA30]  }
0xea: {  	v11 =	vld [tilespmem:$0x630]  }
0xeb: {  	v12 =	vld [tilespmem:$0x830]  }
0xec: {  	v13 =	vld [tilespmem:$0xA40]  }
0xed: {  	v14 =	vld [tilespmem:$0x640]  }
0xee: {  	v15 =	vld [tilespmem:$0x840]  }
0xef: {  	v16 =	vld [tilespmem:$0xA50]  }
0xf0: {  	v17 =	vld [tilespmem:$0x650]  }
0xf1: {  	v18 =	vld [tilespmem:$0x850]  }
0xf2: {  	v19 =	vld [tilespmem:$0xA60]  }
0xf3: {  	v20 =	vld [tilespmem:$0x660]  }
0xf4: {  	v21 =	vld [tilespmem:$0x860]  }
0xf5: {  	v22 =	vld [tilespmem:$0xA70]  }
0xf6: {  	v23 =	vld [tilespmem:$0x670]  }
0xf7: {  	v24 =	vld [tilespmem:$0x870]  }
0xf8: {  	v25 =	vld [tilespmem:$0xA80]  }
0xf9: {  	v26 =	vld [tilespmem:$0x680]  }
0xfa: {  	v27 =	vld [tilespmem:$0x880]  }
0xfb: {  	v28 =	vld [tilespmem:$0xA90]  }
0xfc: {  	v29 =	vld [tilespmem:$0x690]  }
0xfd: {  	v30 =	vld [tilespmem:$0x890]  }
0xfe: {  	v31 =	vld [tilespmem:$0xAA0]  }
0xff: {  	v32 =	vld [tilespmem:$0x6A0]  }
0x100: {  	v33 =	vld [tilespmem:$0x8A0]  }
0x101: {  	v34 =	vld [tilespmem:$0xAB0]  }
0x102: {  	v35 =	vld [tilespmem:$0x6B0]  }
0x103: {  	v36 =	vld [tilespmem:$0x8B0]  }
0x104: {  	v37 =	vld [tilespmem:$0xAC0]  }
0x105: {  	v38 =	vld [tilespmem:$0x6C0]  }
0x106: {  	v39 =	vld [tilespmem:$0x8C0]  }
0x107: {  	v40 =	vld [tilespmem:$0xAD0]  }
0x108: {  	v41 =	vld [tilespmem:$0x6D0]  }
0x109: {  	v42 =	vld [tilespmem:$0x8D0]  }
0x10a: {  	v43 =	vld [tilespmem:$0xAE0]  }
0x10b: {  	v44 =	vld [tilespmem:$0x6E0]  }
0x10c: {  	v45 =	vld [tilespmem:$0x8E0]  }
0x10d: {  	v46 =	vld [tilespmem:$0xAF0]  }
0x10e: {  	v47 =	vld [tilespmem:$0x6F0]  }
0x10f: {  	v48 =	vld [tilespmem:$0x8F0]  }
0x110: {  	v49 =	vld [tilespmem:$0xB00]  }
0x111: {  	v50 =	vld [tilespmem:$0x700]  }
0x112: {  	v51 =	vld [tilespmem:$0x900]  }
0x113: {  	v61 =	vld [tilespmem:$0xB40]  }
0x114: {  	v52 =	vld [tilespmem:$0xB10]  }
0x115: {  	v53 =	vld [tilespmem:$0x710]  }
0x116: {  	v54 =	vld [tilespmem:$0x910]  }
0x117: {  	v55 =	vld [tilespmem:$0xB20]  }
0x118: {  	[tilespmem:$0x1FF90] =	vst v61;
	v61 =	vld [tilespmem:$0xB50]  }
0x119: {  	v56 =	vld [tilespmem:$0x720]  }
0x11a: {  	v57 =	vld [tilespmem:$0x920]  }
0x11b: {  	v58 =	vld [tilespmem:$0xB30]  }
0x11c: {  	v59 =	vld [tilespmem:$0x730]  }
0x11d: {  	[tilespmem:$0x1FFA0] =	vst v61;
	v61 =	vld [tilespmem:$0x750]  }
0x11e: {  	v60 =	vld [tilespmem:$0x930]  }
0x11f: {  	v62 =	vld [tilespmem:$0x740]  }
0x120: {  	v63 =	vld [tilespmem:$0x940]  }
0x121: {  	v2 =	vsub.f32 v2, v3;
	v3 =	vld [tilespmem:$0xB70]  }
0x122: {  	v1 =	vmul.f32 v1, v0;
	[tilespmem:$0x1FFB0] =	vst v61;
	v61 =	vld [tilespmem:$0x950]  }
0x123: {  	v5 =	vsub.f32 v5, v6;
	v6 =	vld [tilespmem:$0x770];
	v16 =	vmul.f32 v16, v0;
	v17 =	vsub.f32 v17, v18  }
0x124: {  	v1 =	vmul.f32 v2, v1;
	v2 =	vsub.f32 v8, v9;
	v8 =	vld [tilespmem:$0x970]  }
0x125: {  	v19 =	vmul.f32 v19, v0;
	v20 =	vsub.f32 v20, v21;
	v21 =	vmul.f32 v17, v16;
	v16 =	vld [tilespmem:$0xBA0]  }
0x126: {  	v23 =	vsub.f32 v23, v24;
	v17 =	vld [tilespmem:$0x7A0]  }
0x127: {  	v24 =	vmul.f32 v20, v19;
	v20 =	vsub.f32 v26, v27;
	v26 =	vsub.f32 v32, v33;
	[tilespmem:$0x1FFC0] =	vst v61;
	v61 =	vld [tilespmem:$0xB60]  }
0x128: {  	v32 =	vsub.f32 v38, v39;
	v19 =	vld [tilespmem:$0xBB0];
	v38 =	vsub.f32 v44, v45  }
0x129: {  	v7 =	vmul.f32 v7, v0;
	v44 =	vsub.f32 v50, v51;
	v50 =	vsub.f32 v56, v57;
	v57 =	vld [tilespmem:$0x9D0]  }
0x12a: {  	v22 =	vmul.f32 v22, v0;
	v56 =	vsub.f32 v62, v63;
	v62 =	vld [tilespmem:$0xBE0]  }
0x12b: {  	[tilespmem:$0xC00] =	vst v1;
	v1 =	vmul.f32 v2, v7;
	v7 =	vmul.f32 v13, v0;
	v13 =	vld [tilespmem:$0xB90]  }
0x12c: {  	[tilespmem:$0x1FFD0] =	vst v61;
	v61 =	vld [tilespmem:$0x760]  }
0x12d: {  	v2 =	vsub.f32 v14, v15;
	v14 =	vld [tilespmem:$0x790];
	[tilespmem:$0xC50] =	vst v21;
	v21 =	vmul.f32 v23, v22  }
0x12e: {  	v15 =	vld [tilespmem:$0x990];
	v22 =	vmul.f32 v28, v0;
	v23 =	vsub.f32 v29, v30  }
0x12f: {  	v4 =	vmul.f32 v4, v0;
	[tilespmem:$0xC70] =	vst v21;
	v21 =	vld [tilespmem:$0x9B0]  }
0x130: {  	v18 =	vmul.f32 v2, v7;
	v27 =	vmul.f32 v23, v22;
	v22 =	vld [tilespmem:$0xBC0]  }
0x131: {  	v4 =	vmul.f32 v5, v4;
	v28 =	vmul.f32 v34, v0;
	[tilespmem:$0x1FFF0] =	vst v61;
	v61 =	vld [tilespmem:$0x960]  }
0x132: {  	v29 =	vsub.f32 v35, v36;
	v34 =	vmul.f32 v40, v0;
	v35 =	vsub.f32 v41, v42;
	[tilespmem:$0xC40] =	vst v18;
	v18 =	vld [tilespmem:$0x9A0]  }
0x133: {  	[tilespmem:$0xC10] =	vst v4;
	v40 =	vmul.f32 v46, v0;
	v41 =	vsub.f32 v47, v48;
	v46 =	vmul.f32 v52, v0;
	v23 =	vld [tilespmem:$0x7C0]  }
0x134: {  	[tilespmem:$0xC60] =	vst v24;
	v47 =	vsub.f32 v53, v54;
	v52 =	vmul.f32 v58, v0;
	v53 =	vsub.f32 v59, v60;
	v59 =	vld [tilespmem:$0x1FFA0]  }
0x135: {  	[tilespmem:$0xC20] =	vst v1;
	v33 =	vmul.f32 v29, v28;
	v39 =	vmul.f32 v35, v34;
	v34 =	vld [tilespmem:$0x7E0]  }
0x136: {  	v45 =	vmul.f32 v41, v40;
	v41 =	vld [tilespmem:$0xBF0];
	[tilespmem:$0x1FFE0] =	vst v61;
	v61 =	vsub.f32 v11, v12;
	v12 =	vmul.f32 v10, v0  }
0x137: {  	v51 =	vmul.f32 v47, v46;
	v46 =	vmul.f32 v16, v0;
	[tilespmem:$0xC90] =	vst v27;
	v60 =	vld [tilespmem:$0x1FFB0];
	v47 =	vsub.f32 v17, v18  }
0x138: {  	[tilespmem:$0xCB0] =	vst v33;
	v33 =	vld [tilespmem:$0x1FFF0];
	v61 =	vmul.f32 v61, v12  }
0x139: {  	v58 =	vmul.f32 v53, v52;
	[tilespmem:$0xCD0] =	vst v39;
	v52 =	vmul.f32 v47, v46;
	v10 =	vld [tilespmem:$0xB80]  }
0x13a: {  	v11 =	vld [tilespmem:$0x780];
	[tilespmem:$0xC30] =	vst v61;
	v61 =	vmul.f32 v25, v0;
	v25 =	vmul.f32 v31, v0  }
0x13b: {  	[tilespmem:$0xCF0] =	vst v45;
	v12 =	vld [tilespmem:$0x980];
	v31 =	vmul.f32 v37, v0;
	v37 =	vmul.f32 v43, v0  }
0x13c: {  	[tilespmem:$0xD10] =	vst v51;
	v43 =	vmul.f32 v49, v0;
	v49 =	vmul.f32 v55, v0;
	v55 =	vld [tilespmem:$0x1FF90]  }
0x13d: {  	[tilespmem:$0xD30] =	vst v58;
	v24 =	vmul.f32 v20, v61;
	v20 =	vld [tilespmem:$0x7B0]  }
0x13e: {  	[tilespmem:$0xDA0] =	vst v52;
	v30 =	vmul.f32 v26, v25;
	v25 =	vld [tilespmem:$0xBD0]  }
0x13f: {  	v36 =	vmul.f32 v32, v31;
	v61 =	vld [tilespmem:$0x1FFC0];
	[tilespmem:$0xC80] =	vst v24  }
0x140: {  	v42 =	vmul.f32 v38, v37;
	v31 =	vld [tilespmem:$0x1FFD0];
	[tilespmem:$0xCA0] =	vst v30  }
0x141: {  	v39 =	vmul.f32 v10, v0;
	v48 =	vmul.f32 v44, v43;
	v32 =	vld [tilespmem:$0x1FFE0];
	v40 =	vsub.f32 v11, v12;
	[tilespmem:$0xCC0] =	vst v36  }
0x142: {  	v3 =	vmul.f32 v3, v0;
	v26 =	vld [tilespmem:$0x7D0];
	v54 =	vmul.f32 v50, v49;
	[tilespmem:$0xCE0] =	vst v42;
	v36 =	vsub.f32 v6, v8  }
0x143: {  	v37 =	vld [tilespmem:$0x9E0];
	v43 =	vsub.f32 v14, v15;
	[tilespmem:$0xD00] =	vst v48;
	v42 =	vmul.f32 v13, v0;
	v45 =	vmul.f32 v40, v39  }
0x144: {  	v44 =	vld [tilespmem:$0x7F0];
	[tilespmem:$0xD20] =	vst v54;
	v2 =	vmul.f32 v55, v0;
	v3 =	vmul.f32 v36, v3  }
0x145: {  	v5 =	vmul.f32 v59, v0;
	v24 =	vld [tilespmem:$0x9C0];
	v49 =	vmul.f32 v43, v42;
	v9 =	vsub.f32 v60, v61;
	[tilespmem:$0xD80] =	vst v45  }
0x146: {  	v48 =	vld [tilespmem:$0x9F0];
	v63 =	vmul.f32 v56, v2;
	v2 =	vmul.f32 v31, v0;
	v7 =	vsub.f32 v33, v32;
	[tilespmem:$0xD70] =	vst v3  }
0x147: {  	v51 =	vmul.f32 v19, v0;
	v50 =	vsub.f32 v20, v21;
	[tilespmem:$0xD90] =	vst v49;
	v35 =	vmul.f32 v9, v5  }
0x148: {  	v56 =	vsub.f32 v26, v57;
	v57 =	vmul.f32 v25, v0;
	[tilespmem:$0xD40] =	vst v63;
	v38 =	vmul.f32 v7, v2  }
0x149: {  	v59 =	vsub.f32 v34, v37;
	v60 =	vmul.f32 v62, v0;
	v55 =	vmul.f32 v50, v51;
	[tilespmem:$0xD50] =	vst v35  }
0x14a: {  	v54 =	vmul.f32 v22, v0;
	v53 =	vsub.f32 v23, v24;
	v61 =	vmul.f32 v56, v57;
	[tilespmem:$0xD60] =	vst v38  }
0x14b: {  	v0 =	vmul.f32 v41, v0;
	v62 =	vsub.f32 v44, v48;
	v63 =	vmul.f32 v59, v60;
	[tilespmem:$0xDB0] =	vst v55  }
0x14c: {  	v58 =	vmul.f32 v53, v54;
	[tilespmem:$0xDD0] =	vst v61  }
0x14d: {  	v0 =	vmul.f32 v62, v0;
	[tilespmem:$0xDE0] =	vst v63  }
0x14e: {  	p0 =	sne.s32 s5, $0x1;
	s30 =	rddreg [dreg:$0x7];
	[tilespmem:$0xDC0] =	vst v58  }
.Ltmp0:
0x14f: {  	s31 =	rddreg [dreg:$0x1d];
	[tilespmem:$0xDF0] =	vst v0;
	(pc) =	sbr.rel @p0 .LBB2_1-.Ltmp0, $4  }
0x150: {  	[hbm4b:s30+s2] =	stream.linear.scatter [tilespmem:s31], [sflag:$0x5], $0x200, $0x38;
	[tilespmem:$0x1E00] =	vst v63  }
0x151: {  	_ =	swait.ge [sflag:s6], $0x200  }
0x152: {  	[sflag:s6] =	ssyncset.done $0x0  }
0x153: {  	s5 =	sadd.s32 $0xFFFFFFFF, s5;
	[sflag:s6] =	ssyncadd.s32 $0xFFFFFE00  }
0x154: {  	_ =	sfence.sel $0x180000  }
0x155: {  	[bflag:$0x0] =	sbarrier.arrive $0xFFFF  }
0x156: {  	p0 =	sne.s32 s1, $0x0;
	_ =	strace $0x9000004A  }
0x157: {  	s0 =	sadd.s32 @!p0 $0x100000, s0;
	[bflag:$0x2] =	sbarrier.arrive $0xFFFF  }
0x158: {  	[sflag:s0] =	ssyncadd.tile.s32 @!p0 $0x1;
	_ =	shalt  }
.Lfunc_end2:
_tile_overlayer_lowered:
.L_overlay_start_2:
0x159: {  	(tag) =	ssettag $0x2  }
0x15a: {  	s0 =	rddreg [dreg:$0x0];
	s2 =	stileid.u32  }
0x15b: {  	s1 =	rddreg [dreg:$0x1];
	p0 =	sne.s32 s2, $0x0  }
0x15c: {  	s3 =	rddreg [dreg:$0x2];
	[bflag:$0x3] =	sbarrier.arrive $0xFFFF;
	s2 =	simm.s32 @!p0 $0x1C05  }
0x15d: {  	[timem:s3], [sflag:s2] =	dma.local @!p0 [hbm:s0], s1  }
0x15e: {  	s0 =	simm.s32 @!p0 $0x5  }
0x15f: {  	_ =	swait.ge @!p0 [sflag:s0], s1  }
0x160: {  	s1 =	ssub.s32 @!p0 $0x0, s1;
	[sflag:s0] =	ssyncset.done @!p0 $0x0  }
0x161: {  	[sflag:s0] =	ssyncadd.s32 @!p0 s1  }
0x162: {  	[bflag:$0x3] =	sbarrier.arrive $0xFFFF  }
0x163: {  	_ =	shalt  }

</sc_bundles>
